<compile_context>
chip_gen: v7x
topology: tpu7x:2x2x1
jax: 0.10.2.dev20260603
libtpu: 0.0.44.dev20260713+nightly
codegen_flags: <defaults>
</compile_context>

<pallas_src>
import jax
import jax.numpy as jnp
from jax import lax
from jax.experimental import pallas as pl
from jax.experimental.pallas import tpu as pltpu
from jax.experimental.pallas import tpu_sc as plsc

_NR = 100
_G = 101
_N = _NR * _G
_B = 4096
_NW = 32
_RPW = _B // _NW
_WAVE = 16
_NWAVE = _RPW // _WAVE
_PITCH = 257
_LN2 = 0.6931471805599453


def _bc(s):
    return lax.broadcast(s, (16,))


def _log_newton(s):
    bits = lax.bitcast_convert_type(s, jnp.int32)
    e = ((bits >> 23) & 255) - 127
    mant = lax.bitcast_convert_type(
        (bits & 0x007FFFFF) | 0x3F800000, jnp.float32)
    t = mant - 1.0
    y = t * (1.0 + t * (-0.5 + t * (1.0 / 3.0)))
    for _ in range(3):
        y = y - 1.0 + mant * jnp.exp(-y)
    return e.astype(jnp.float32) * _LN2 + y


def _body(x, x_tail, label, out, lbl_v, root_buf, wv0, wv1,
          acc, sem_w0, sem_w1, sem_r):
    wid = lax.axis_index("c") * 16 + lax.axis_index("s")
    base = pl.multiple_of(wid * _RPW, _RPW)
    iota = lax.iota(jnp.int32, 16)

    pltpu.sync_copy(label.at[pl.ds(base, _RPW)], lbl_v)

    def root_fire(t, _):
        pltpu.async_copy(
            x.at[pl.ds(pl.multiple_of(base + 8 * t, 8), 8), pl.ds(0, 128)],
            root_buf.at[pl.ds(8 * t, 8), pl.ds(0, 128)], sem_r)
        return 0

    lax.fori_loop(0, _RPW // 8, root_fire, 0)

    def lab_fire(w, buf, sem):
        lv = lbl_v[pl.ds(w * _WAVE, 16)]

        def fire_one(j, _):
            l = jnp.max(jnp.where(iota == j, lv, jnp.int32(-1)))
            cc0 = lax.div(lax.div(l, _NR) * _NR, 128)
            blk = pl.ds(base + w * _WAVE + j, 1)
            a1 = pl.multiple_of(jnp.minimum(cc0, 77) * 128, 128)
            pltpu.async_copy(
                x.at[blk, pl.ds(a1, 128)],
                buf.at[pl.ds(j, 1), pl.ds(0, 128)], sem)

            @pl.when(cc0 < 77)
            def _():
                a2 = pl.multiple_of(cc0 * 128 + 128, 128)
                pltpu.async_copy(
                    x.at[blk, pl.ds(a2, 128)],
                    buf.at[pl.ds(j, 1), pl.ds(128, 128)], sem)

            @pl.when(cc0 >= 77)
            def _():
                pltpu.async_copy(
                    x_tail.at[blk, pl.ds(0, 128)],
                    buf.at[pl.ds(j, 1), pl.ds(128, 128)], sem)

            return 0

        lax.fori_loop(0, _WAVE, fire_one, 0)

    def lab_drain(buf, sem):
        pltpu.make_async_copy(
            x.at[pl.ds(base, _WAVE), pl.ds(0, 256)],
            buf.at[pl.ds(0, _WAVE), pl.ds(0, 256)], sem).wait()

    lab_fire(0, wv0, sem_w0)

    def root_drain(t, _):
        pltpu.make_async_copy(
            x.at[pl.ds(pl.multiple_of(base + 8 * t, 8), 8), pl.ds(0, 128)],
            root_buf.at[pl.ds(8 * t, 8), pl.ds(0, 128)], sem_r).wait()
        return 0

    lax.fori_loop(0, _RPW // 8, root_drain, 0)

    acc[...] = jnp.zeros((16,), jnp.float32)
    lane_row = iota

    def compute_wave(w, buf):
        ridx = w * _WAVE + iota
        l = lbl_v[pl.ds(w * _WAVE, 16)]
        gl = lax.div(l, _NR)
        c0 = gl * _NR
        cc0 = lax.div(c0, 128)
        a1 = jnp.minimum(cc0, 77) * 128
        a2 = jnp.minimum(cc0 * 128 + 128, 78 * 128)

        def lab_pos(c_abs):
            return jnp.where(c_abs < a1 + 128, c_abs - a1, c_abs - a2 + 128)

        def both_sum(k, carry):
            sl0, sl1, s00, s01 = carry
            ca = c0 + _bc(2 * k)
            va = plsc.load_gather(buf, [lane_row, lab_pos(ca)])
            vb = plsc.load_gather(buf, [lane_row, lab_pos(ca + 1)])
            ra = plsc.load_gather(root_buf, [ridx, _bc(2 * k)])
            rb = plsc.load_gather(root_buf, [ridx, _bc(2 * k + 1)])
            return (sl0 + jnp.exp(va), sl1 + jnp.exp(vb),
                    s00 + jnp.exp(ra), s01 + jnp.exp(rb))

        z = jnp.zeros((16,), jnp.float32)
        sl0, sl1, s00, s01 = lax.fori_loop(0, _NR // 2, both_sum,
                                           (z, z, z, z))
        s_l = sl0 + sl1
        s_0 = s00 + s01

        x_l = plsc.load_gather(buf, [lane_row, lab_pos(l)])
        x_p = plsc.load_gather(root_buf, [ridx, jnp.maximum(gl - 1, 0)])

        loss = (_log_newton(s_l) - x_l) + jnp.where(
            l >= _NR, _log_newton(s_0) - x_p, jnp.zeros((16,), jnp.float32))
        acc[...] = acc[...] + loss

    bufs = (wv0, wv1)
    sems = (sem_w0, sem_w1)

    def outer(g, _):
        for p in range(2):
            w = g * 2 + p

            @pl.when(w + 1 < _NWAVE)
            def _():
                lab_fire(w + 1, bufs[1 - p], sems[1 - p])

            lab_drain(bufs[p], sems[p])
            compute_wave(w, bufs[p])
        return 0

    lax.fori_loop(0, _NWAVE // 2, outer, 0)
    pltpu.sync_copy(acc, out.at[wid])


@jax.jit
def _run(x, x_tail, label):
    mesh = plsc.VectorSubcoreMesh(core_axis_name="c", subcore_axis_name="s")
    f = pl.kernel(
        _body,
        out_type=jax.ShapeDtypeStruct((_NW, 16), jnp.float32),
        mesh=mesh,
        compiler_params=pltpu.CompilerParams(needs_layout_passes=False),
        scratch_types=[
            pltpu.VMEM((_RPW,), jnp.int32),
            pltpu.VMEM((_RPW, 129), jnp.float32),
            pltpu.VMEM((_WAVE, _PITCH), jnp.float32),
            pltpu.VMEM((_WAVE, _PITCH), jnp.float32),
            pltpu.VMEM((16,), jnp.float32),
            pltpu.SemaphoreType.DMA,
            pltpu.SemaphoreType.DMA,
            pltpu.SemaphoreType.DMA,
        ],
    )
    return f(x, x_tail, label)


def kernel(x, label, group_offsets, group_sizes, cid_groups, parents):
    x_tail = jnp.pad(lax.slice(x, (0, 78 * 128), (_B, _N)),
                     ((0, 0), (0, 79 * 128 - _N)))
    partials = _run(x, x_tail, label)
    return jnp.sum(partials) / jnp.float32(_B)

# --- scband reference (transcript-rebuilt; emitter-appended) ---
"""Pipeline reference for scband-softmax-tree-with-loss-88553635709129 (READ-ONLY COPY).

The authoritative reference and input builder live on the scoring server;
editing this copy changes nothing except your own understanding.
"""

import jax, jax.numpy as jnp
import numpy as np

N_ROOT = 100
N_CHILD = 100
NODE_COUNT = N_ROOT + N_ROOT * N_CHILD  # 10100
GROUP_COUNT = 1 + N_ROOT               # 101
BATCH = 4096
MAX_DEPTH = 2
LOSS_WEIGHT = 1.0


def _build_tree():
    # group 0: the N_ROOT root nodes; group 1+i: children of root node i
    group_offsets = np.array([0] + [N_ROOT + i * N_CHILD for i in range(N_ROOT)], dtype=np.int32)
    group_sizes = np.array([N_ROOT] + [N_CHILD] * N_ROOT, dtype=np.int32)
    cid_groups = np.concatenate([
        np.zeros(N_ROOT, dtype=np.int32),
        (1 + np.arange(N_ROOT * N_CHILD) // N_CHILD).astype(np.int32),
    ])
    parents = np.concatenate([
        np.full(N_ROOT, -1, dtype=np.int32),
        (np.arange(N_ROOT * N_CHILD) // N_CHILD).astype(np.int32),
    ])
    return group_offsets, group_sizes, cid_groups, parents


def setup_inputs(seed: int = 0) -> dict:
    key = jax.random.key(seed)
    k1, k2 = jax.random.split(key)
    x = jax.random.normal(k1, (BATCH, NODE_COUNT), dtype=jnp.float32)
    label = jax.random.randint(k2, (BATCH,), 0, NODE_COUNT, dtype=jnp.int32)
    go, gs, cg, par = _build_tree()
    return {
        "x": x,
        "label": label,
        "group_offsets": jnp.asarray(go),
        "group_sizes": jnp.asarray(gs),
        "cid_groups": jnp.asarray(cg),
        "parents": jnp.asarray(par),
    }


def reference(x, label, group_offsets, group_sizes, cid_groups, parents):
    # smt forward: per-group softmax along the node (class) axis
    xt = x.T  # [N, B]
    seg = cid_groups
    gmax = jax.ops.segment_max(xt, seg, num_segments=GROUP_COUNT)  # [G, B]
    gmax = jax.lax.stop_gradient(gmax)
    ex = jnp.exp(xt - gmax[seg])
    gsum = jax.ops.segment_sum(ex, seg, num_segments=GROUP_COUNT)
    prob = (ex / gsum[seg]).T  # [B, N]

    # smtl forward: walk each label up the tree via parents, accumulating -log(prob)
    B = x.shape[0]
    rows = jnp.arange(B)
    node = label
    loss = jnp.zeros((B,), dtype=x.dtype)
    for _ in range(MAX_DEPTH):
        valid = node >= 0
        safe = jnp.where(valid, node, 0)
        p = prob[rows, safe]
        loss = loss + jnp.where(valid, -jnp.log(p), jnp.zeros((), dtype=x.dtype))
        node = jnp.where(valid, parents[safe], -1)

    # valid_normalization=False -> normalize by batch size (no ignore_label)
    norm = jnp.asarray(B, dtype=x.dtype)
    total = jnp.sum(loss) / norm
    return total * LOSS_WEIGHT

if __name__ == "__main__":
    import jax
    _d = setup_inputs()
    print(jax.jit(kernel)(*tuple(_d.values())))

</pallas_src>

<mosaic_0001>
#map = affine_map<(d0, d1) -> (0, 0)>
#map1 = affine_map<(d0, d1) -> (0)>
module attributes {stable_mosaic.version = 14 : i64} {
  func.func @_body(%arg0: i32, %arg1: i32, %arg2: memref<4096x10100xf32, #tpu.memory_space<hbm>>, %arg3: memref<4096x128xf32, #tpu.memory_space<hbm>>, %arg4: memref<4096xi32, #tpu.memory_space<hbm>>, %arg5: memref<32x16xf32, #tpu.memory_space<hbm>>, %arg6: memref<128xi32, #tpu.memory_space<vmem>>, %arg7: memref<128x129xf32, #tpu.memory_space<vmem>>, %arg8: memref<16x257xf32, #tpu.memory_space<vmem>>, %arg9: memref<16x257xf32, #tpu.memory_space<vmem>>, %arg10: memref<16xf32, #tpu.memory_space<vmem>>, %arg11: memref<!tpu.dma_semaphore, #tpu.memory_space<semaphore_mem>>, %arg12: memref<!tpu.dma_semaphore, #tpu.memory_space<semaphore_mem>>, %arg13: memref<!tpu.dma_semaphore, #tpu.memory_space<semaphore_mem>>) attributes {dimension_semantics = [#tpu.dimension_semantics<core_parallel>, #tpu.dimension_semantics<subcore_parallel>], iteration_bounds = array<i64: 2, 16>, scalar_prefetch = 0 : i64, scratch_operands = 8 : i64, tpu.core_type = #tpu.core_type<sc_vector_subcore>, window_params = [{transform_indices = #map}, {transform_indices = #map}, {transform_indices = #map1}, {transform_indices = #map}]} {
    %mul3A = arith.constant 16 : i32
    %mul3A_0 = arith.muli %arg0, %mul3A : i32
    %add3A = arith.addi %mul3A_0, %arg1 : i32
    %mul3A_1 = arith.constant 128 : i32
    %mul3A_2 = arith.muli %add3A, %mul3A_1 : i32
    %multiple_of3A = tpu.assume_multiple %mul3A_2, 128 : i32
    %iota3A = tpu.iota {dimensions = array<i32: 0>} : vector<16xi32>
    "tpu.region"() ({
      %run_scoped3A = tpu.sem_alloc : memref<!tpu.dma_semaphore, #tpu.memory_space<semaphore_mem>>
      %dma_start3A = tpu.memref_slice %arg4[%multiple_of3A] : memref<4096xi32, #tpu.memory_space<hbm>> -> memref<128xi32, #tpu.memory_space<hbm>>
      %dma_start3A_33 = tpu.memref_slice %arg4[%multiple_of3A] : memref<4096xi32, #tpu.memory_space<hbm>> -> memref<128xi32, #tpu.memory_space<hbm>>
      tpu.enqueue_dma source(%dma_start3A_33 : memref<128xi32, #tpu.memory_space<hbm>>) target(%arg6 : memref<128xi32, #tpu.memory_space<vmem>>) target_semaphore(%run_scoped3A : memref<!tpu.dma_semaphore, #tpu.memory_space<semaphore_mem>>)
      %dma_wait3A = tpu.memref_slice %arg4[%multiple_of3A] : memref<4096xi32, #tpu.memory_space<hbm>> -> memref<128xi32, #tpu.memory_space<hbm>>
      %dma_wait3A_34 = tpu.memref_slice %arg4[%multiple_of3A] : memref<4096xi32, #tpu.memory_space<hbm>> -> memref<128xi32, #tpu.memory_space<hbm>>
      tpu.wait_dma2 semaphore(%run_scoped3A : memref<!tpu.dma_semaphore, #tpu.memory_space<semaphore_mem>>) src(%dma_wait3A_34 : memref<128xi32, #tpu.memory_space<hbm>>) dst(%arg6 : memref<128xi32, #tpu.memory_space<vmem>>)
      tpu.yield
    }) : () -> ()
    %scan3A = arith.constant 0 : i32
    %scan3A_3 = arith.constant 0 : i32
    %scan3A_4 = arith.constant 16 : i32
    %scan3A_5 = arith.addi %scan3A_3, %scan3A_4 : i32
    %scan3A_6 = arith.constant 1 : i32
    %scan3A_7 = scf.for %scan3A_33 = %scan3A_3 to %scan3A_5 step %scan3A_6 iter_args(%scan3A_34 = %scan3A) -> (i32)  : i32 {
      %mul3A_35 = arith.constant 8 : i32
      %mul3A_36 = arith.muli %mul3A_35, %scan3A_33 : i32
      %add3A_37 = arith.addi %multiple_of3A, %mul3A_36 : i32
      %multiple_of3A_38 = tpu.assume_multiple %add3A_37, 8 : i32
      %mul3A_39 = arith.constant 8 : i32
      %mul3A_40 = arith.muli %mul3A_39, %scan3A_33 : i32
      %dma_start3A = arith.constant 0 : i32
      %dma_start3A_41 = tpu.memref_slice %arg7[%mul3A_40, %dma_start3A] : memref<128x129xf32, #tpu.memory_space<vmem>> -> memref<8x128xf32, #tpu.memory_space<vmem>>
      %dma_start3A_42 = arith.constant 0 : i32
      %dma_start3A_43 = tpu.memref_slice %arg2[%multiple_of3A_38, %dma_start3A_42] : memref<4096x10100xf32, #tpu.memory_space<hbm>> -> memref<8x128xf32, #tpu.memory_space<hbm>>
      %dma_start3A_44 = arith.constant 0 : i32
      %dma_start3A_45 = tpu.memref_slice %arg7[%mul3A_40, %dma_start3A_44] : memref<128x129xf32, #tpu.memory_space<vmem>> -> memref<8x128xf32, #tpu.memory_space<vmem>>
      %dma_start3A_46 = arith.constant 0 : i32
      %dma_start3A_47 = tpu.memref_slice %arg2[%multiple_of3A_38, %dma_start3A_46] : memref<4096x10100xf32, #tpu.memory_space<hbm>> -> memref<8x128xf32, #tpu.memory_space<hbm>>
      tpu.enqueue_dma source(%dma_start3A_47 : memref<8x128xf32, #tpu.memory_space<hbm>>) target(%dma_start3A_45 : memref<8x128xf32, #tpu.memory_space<vmem>>) target_semaphore(%arg13 : memref<!tpu.dma_semaphore, #tpu.memory_space<semaphore_mem>>)
      %scan3A_48 = arith.constant 0 : i32
      scf.yield %scan3A_48 : i32
    }
    %scan3A_8 = arith.constant 16 : i32
    %get3A = arith.constant 0 : index
    %get3A_9 = tpu.vector_load %arg6[%get3A] {strides = array<i32>} : memref<128xi32, #tpu.memory_space<vmem>>, vector<16xi32>,
    %scan3A_10 = arith.constant 0 : i32
    %scan3A_11 = arith.constant 0 : i32
    %scan3A_12 = arith.constant 16 : i32
    %scan3A_13 = arith.addi %scan3A_11, %scan3A_12 : i32
    %scan3A_14 = arith.constant 1 : i32
    %scan3A_15 = scf.for %scan3A_33 = %scan3A_11 to %scan3A_13 step %scan3A_14 iter_args(%scan3A_34 = %scan3A_10) -> (i32)  : i32 {
      %eq3A = vector.broadcast %scan3A_33 : i32 to vector<16xi32>
      %eq3A_35 = arith.cmpi eq, %iota3A, %eq3A : vector<16xi32>
      %jit3A = arith.constant -1 : i32
      %broadcast_in_dim3A_36 = vector.broadcast %jit3A : i32 to vector<16xi32>
      %select_n3A = arith.select %eq3A_35, %get3A_9, %broadcast_in_dim3A_36 : vector<16xi1>, vector<16xi32>
      %reduce_max3A = arith.constant true
      %reduce_max3A_37 = vector.broadcast %reduce_max3A : i1 to vector<16xi1>
      %reduce_max3A_38 = arith.constant -2147483648 : i32
      %reduce_max3A_39 = vector.broadcast %reduce_max3A_38 : i32 to vector<16xi32>
      %reduce_max3A_40 = arith.xori %select_n3A, %reduce_max3A_39 : vector<16xi32>
      %reduce_max3A_41 = tpu.scan <max>, %reduce_max3A_40 masked %reduce_max3A_37 : vector<16xi32>, vector<16xi1> -> vector<16xi32>
      %reduce_max3A_42 = arith.xori %reduce_max3A_41, %reduce_max3A_39 : vector<16xi32>
      %reduce_max3A_43 = vector.extract %reduce_max3A_42[15] : i32 from vector<16xi32>
      %div3A = arith.constant 100 : i32
      %div3A_44 = arith.divsi %reduce_max3A_43, %div3A : i32
      %mul3A_45 = arith.constant 100 : i32
      %mul3A_46 = arith.muli %div3A_44, %mul3A_45 : i32
      %div3A_47 = arith.constant 128 : i32
      %div3A_48 = arith.divsi %mul3A_46, %div3A_47 : i32
      %add3A_49 = arith.constant 0 : i32
      %add3A_50 = arith.addi %multiple_of3A, %add3A_49 : i32
      %add3A_51 = arith.addi %add3A_50, %scan3A_33 : i32
      %min3A = arith.constant 77 : i32
      %min3A_52 = arith.minsi %div3A_48, %min3A : i32
      %mul3A_53 = arith.constant 128 : i32
      %mul3A_54 = arith.muli %min3A_52, %mul3A_53 : i32
      %multiple_of3A_55 = tpu.assume_multiple %mul3A_54, 128 : i32
      %dma_start3A = arith.constant 0 : i32
      %dma_start3A_56 = tpu.memref_slice %arg8[%scan3A_33, %dma_start3A] : memref<16x257xf32, #tpu.memory_space<vmem>> -> memref<1x128xf32, #tpu.memory_space<vmem>>
      %dma_start3A_57 = tpu.memref_slice %arg2[%add3A_51, %multiple_of3A_55] : memref<4096x10100xf32, #tpu.memory_space<hbm>> -> memref<1x128xf32, #tpu.memory_space<hbm>>
      %dma_start3A_58 = arith.constant 0 : i32
      %dma_start3A_59 = tpu.memref_slice %arg8[%scan3A_33, %dma_start3A_58] : memref<16x257xf32, #tpu.memory_space<vmem>> -> memref<1x128xf32, #tpu.memory_space<vmem>>
      %dma_start3A_60 = tpu.memref_slice %arg2[%add3A_51, %multiple_of3A_55] : memref<4096x10100xf32, #tpu.memory_space<hbm>> -> memref<1x128xf32, #tpu.memory_space<hbm>>
      tpu.enqueue_dma source(%dma_start3A_60 : memref<1x128xf32, #tpu.memory_space<hbm>>) target(%dma_start3A_59 : memref<1x128xf32, #tpu.memory_space<vmem>>) target_semaphore(%arg11 : memref<!tpu.dma_semaphore, #tpu.memory_space<semaphore_mem>>)
      %lt3A = arith.constant 77 : i32
      %lt3A_61 = arith.cmpi slt, %div3A_48, %lt3A : i32
      %convert_element_type3A = arith.extui %lt3A_61 : i1 to i32
      %cond3A = arith.constant 0 : i32
      %cond3A_62 = arith.cmpi ne, %convert_element_type3A, %cond3A : i32
      scf.if %cond3A_62 {
        %mul3A_68 = arith.constant 128 : i32
        %mul3A_69 = arith.muli %div3A_48, %mul3A_68 : i32
        %add3A_70 = arith.constant 128 : i32
        %add3A_71 = arith.addi %mul3A_69, %add3A_70 : i32
        %multiple_of3A_72 = tpu.assume_multiple %add3A_71, 128 : i32
        %dma_start3A_73 = arith.constant 128 : i32
        %dma_start3A_74 = tpu.memref_slice %arg8[%scan3A_33, %dma_start3A_73] : memref<16x257xf32, #tpu.memory_space<vmem>> -> memref<1x128xf32, #tpu.memory_space<vmem>>
        %dma_start3A_75 = tpu.memref_slice %arg2[%add3A_51, %multiple_of3A_72] : memref<4096x10100xf32, #tpu.memory_space<hbm>> -> memref<1x128xf32, #tpu.memory_space<hbm>>
        %dma_start3A_76 = arith.constant 128 : i32
        %dma_start3A_77 = tpu.memref_slice %arg8[%scan3A_33, %dma_start3A_76] : memref<16x257xf32, #tpu.memory_space<vmem>> -> memref<1x128xf32, #tpu.memory_space<vmem>>
        %dma_start3A_78 = tpu.memref_slice %arg2[%add3A_51, %multiple_of3A_72] : memref<4096x10100xf32, #tpu.memory_space<hbm>> -> memref<1x128xf32, #tpu.memory_space<hbm>>
        tpu.enqueue_dma source(%dma_start3A_78 : memref<1x128xf32, #tpu.memory_space<hbm>>) target(%dma_start3A_77 : memref<1x128xf32, #tpu.memory_space<vmem>>) target_semaphore(%arg11 : memref<!tpu.dma_semaphore, #tpu.memory_space<semaphore_mem>>)
      } else {
      }
      %ge3A = arith.constant 77 : i32
      %ge3A_63 = arith.cmpi sge, %div3A_48, %ge3A : i32
      %convert_element_type3A_64 = arith.extui %ge3A_63 : i1 to i32
      %cond3A_65 = arith.constant 0 : i32
      %cond3A_66 = arith.cmpi ne, %convert_element_type3A_64, %cond3A_65 : i32
      scf.if %cond3A_66 {
        %dma_start3A_68 = arith.constant 128 : i32
        %dma_start3A_69 = tpu.memref_slice %arg8[%scan3A_33, %dma_start3A_68] : memref<16x257xf32, #tpu.memory_space<vmem>> -> memref<1x128xf32, #tpu.memory_space<vmem>>
        %dma_start3A_70 = arith.constant 0 : i32
        %dma_start3A_71 = tpu.memref_slice %arg3[%add3A_51, %dma_start3A_70] : memref<4096x128xf32, #tpu.memory_space<hbm>> -> memref<1x128xf32, #tpu.memory_space<hbm>>
        %dma_start3A_72 = arith.constant 128 : i32
        %dma_start3A_73 = tpu.memref_slice %arg8[%scan3A_33, %dma_start3A_72] : memref<16x257xf32, #tpu.memory_space<vmem>> -> memref<1x128xf32, #tpu.memory_space<vmem>>
        %dma_start3A_74 = arith.constant 0 : i32
        %dma_start3A_75 = tpu.memref_slice %arg3[%add3A_51, %dma_start3A_74] : memref<4096x128xf32, #tpu.memory_space<hbm>> -> memref<1x128xf32, #tpu.memory_space<hbm>>
        tpu.enqueue_dma source(%dma_start3A_75 : memref<1x128xf32, #tpu.memory_space<hbm>>) target(%dma_start3A_73 : memref<1x128xf32, #tpu.memory_space<vmem>>) target_semaphore(%arg11 : memref<!tpu.dma_semaphore, #tpu.memory_space<semaphore_mem>>)
      } else {
      }
      %scan3A_67 = arith.constant 0 : i32
      scf.yield %scan3A_67 : i32
    }
    %scan3A_16 = arith.constant 16 : i32
    %scan3A_17 = arith.constant 0 : i32
    %scan3A_18 = arith.constant 0 : i32
    %scan3A_19 = arith.constant 16 : i32
    %scan3A_20 = arith.addi %scan3A_18, %scan3A_19 : i32
    %scan3A_21 = arith.constant 1 : i32
    %scan3A_22 = scf.for %scan3A_33 = %scan3A_18 to %scan3A_20 step %scan3A_21 iter_args(%scan3A_34 = %scan3A_17) -> (i32)  : i32 {
      %mul3A_35 = arith.constant 8 : i32
      %mul3A_36 = arith.muli %mul3A_35, %scan3A_33 : i32
      %add3A_37 = arith.addi %multiple_of3A, %mul3A_36 : i32
      %multiple_of3A_38 = tpu.assume_multiple %add3A_37, 8 : i32
      %mul3A_39 = arith.constant 8 : i32
      %mul3A_40 = arith.muli %mul3A_39, %scan3A_33 : i32
      %dma_wait3A = arith.constant 0 : i32
      %dma_wait3A_41 = tpu.memref_slice %arg7[%mul3A_40, %dma_wait3A] : memref<128x129xf32, #tpu.memory_space<vmem>> -> memref<8x128xf32, #tpu.memory_space<vmem>>
      %dma_wait3A_42 = arith.constant 0 : i32
      %dma_wait3A_43 = tpu.memref_slice %arg2[%multiple_of3A_38, %dma_wait3A_42] : memref<4096x10100xf32, #tpu.memory_space<hbm>> -> memref<8x128xf32, #tpu.memory_space<hbm>>
      %dma_wait3A_44 = arith.constant 0 : i32
      %dma_wait3A_45 = tpu.memref_slice %arg7[%mul3A_40, %dma_wait3A_44] : memref<128x129xf32, #tpu.memory_space<vmem>> -> memref<8x128xf32, #tpu.memory_space<vmem>>
      %dma_wait3A_46 = arith.constant 0 : i32
      %dma_wait3A_47 = tpu.memref_slice %arg2[%multiple_of3A_38, %dma_wait3A_46] : memref<4096x10100xf32, #tpu.memory_space<hbm>> -> memref<8x128xf32, #tpu.memory_space<hbm>>
      tpu.wait_dma2 semaphore(%arg13 : memref<!tpu.dma_semaphore, #tpu.memory_space<semaphore_mem>>) src(%dma_wait3A_47 : memref<8x128xf32, #tpu.memory_space<hbm>>) dst(%dma_wait3A_45 : memref<8x128xf32, #tpu.memory_space<vmem>>)
      %scan3A_48 = arith.constant 0 : i32
      scf.yield %scan3A_48 : i32
    }
    %scan3A_23 = arith.constant 16 : i32
    %broadcast_in_dim3A = arith.constant 0.000000e+00 : f32
    %broadcast_in_dim3A_24 = vector.broadcast %broadcast_in_dim3A : f32 to vector<16xf32>
    %swap3A = arith.constant 0 : index
    %swap3A_25 = tpu.vector_load %arg10[%swap3A] {strides = array<i32>} : memref<16xf32, #tpu.memory_space<vmem>>, vector<16xf32>,
    tpu.vector_store %arg10[%swap3A], %broadcast_in_dim3A_24 {strides = array<i32>} : memref<16xf32, #tpu.memory_space<vmem>>, vector<16xf32>,
    %scan3A_26 = arith.constant 0 : i32
    %scan3A_27 = arith.constant 0 : i32
    %scan3A_28 = arith.constant 4 : i32
    %scan3A_29 = arith.addi %scan3A_27, %scan3A_28 : i32
    %scan3A_30 = arith.constant 1 : i32
    %scan3A_31 = scf.for %scan3A_33 = %scan3A_27 to %scan3A_29 step %scan3A_30 iter_args(%scan3A_34 = %scan3A_26) -> (i32)  : i32 {
      %mul3A_35 = arith.constant 2 : i32
      %mul3A_36 = arith.muli %scan3A_33, %mul3A_35 : i32
      %add3A_37 = arith.constant 0 : i32
      %add3A_38 = arith.addi %mul3A_36, %add3A_37 : i32
      %add3A_39 = arith.constant 1 : i32
      %add3A_40 = arith.addi %add3A_38, %add3A_39 : i32
      %lt3A = arith.constant 8 : i32
      %lt3A_41 = arith.cmpi slt, %add3A_40, %lt3A : i32
      %convert_element_type3A = arith.extui %lt3A_41 : i1 to i32
      %cond3A = arith.constant 0 : i32
      %cond3A_42 = arith.cmpi ne, %convert_element_type3A, %cond3A : i32
      scf.if %cond3A_42 {
        %add3A_461 = arith.constant 1 : i32
        %add3A_462 = arith.addi %add3A_38, %add3A_461 : i32
        %mul3A_463 = arith.constant 16 : i32
        %mul3A_464 = arith.muli %add3A_462, %mul3A_463 : i32
        %get3A_465 = arith.index_cast %mul3A_464 : i32 to index
        %get3A_466 = tpu.vector_load %arg6[%get3A_465] {strides = array<i32>} : memref<128xi32, #tpu.memory_space<vmem>>, vector<16xi32>,
        %scan3A_467 = arith.constant 0 : i32
        %scan3A_468 = arith.constant 0 : i32
        %scan3A_469 = arith.constant 16 : i32
        %scan3A_470 = arith.addi %scan3A_468, %scan3A_469 : i32
        %scan3A_471 = arith.constant 1 : i32
        %scan3A_472 = scf.for %scan3A_474 = %scan3A_468 to %scan3A_470 step %scan3A_471 iter_args(%scan3A_475 = %scan3A_467) -> (i32)  : i32 {
          %eq3A = vector.broadcast %scan3A_474 : i32 to vector<16xi32>
          %eq3A_476 = arith.cmpi eq, %iota3A, %eq3A : vector<16xi32>
          %jit3A = arith.constant -1 : i32
          %broadcast_in_dim3A_477 = vector.broadcast %jit3A : i32 to vector<16xi32>
          %select_n3A_478 = arith.select %eq3A_476, %get3A_466, %broadcast_in_dim3A_477 : vector<16xi1>, vector<16xi32>
          %reduce_max3A = arith.constant true
          %reduce_max3A_479 = vector.broadcast %reduce_max3A : i1 to vector<16xi1>
          %reduce_max3A_480 = arith.constant -2147483648 : i32
          %reduce_max3A_481 = vector.broadcast %reduce_max3A_480 : i32 to vector<16xi32>
          %reduce_max3A_482 = arith.xori %select_n3A_478, %reduce_max3A_481 : vector<16xi32>
          %reduce_max3A_483 = tpu.scan <max>, %reduce_max3A_482 masked %reduce_max3A_479 : vector<16xi32>, vector<16xi1> -> vector<16xi32>
          %reduce_max3A_484 = arith.xori %reduce_max3A_483, %reduce_max3A_481 : vector<16xi32>
          %reduce_max3A_485 = vector.extract %reduce_max3A_484[15] : i32 from vector<16xi32>
          %div3A_486 = arith.constant 100 : i32
          %div3A_487 = arith.divsi %reduce_max3A_485, %div3A_486 : i32
          %mul3A_488 = arith.constant 100 : i32
          %mul3A_489 = arith.muli %div3A_487, %mul3A_488 : i32
          %div3A_490 = arith.constant 128 : i32
          %div3A_491 = arith.divsi %mul3A_489, %div3A_490 : i32
          %mul3A_492 = arith.constant 16 : i32
          %mul3A_493 = arith.muli %add3A_462, %mul3A_492 : i32
          %add3A_494 = arith.addi %multiple_of3A, %mul3A_493 : i32
          %add3A_495 = arith.addi %add3A_494, %scan3A_474 : i32
          %min3A_496 = arith.constant 77 : i32
          %min3A_497 = arith.minsi %div3A_491, %min3A_496 : i32
          %mul3A_498 = arith.constant 128 : i32
          %mul3A_499 = arith.muli %min3A_497, %mul3A_498 : i32
          %multiple_of3A_500 = tpu.assume_multiple %mul3A_499, 128 : i32
          %dma_start3A = arith.constant 0 : i32
          %dma_start3A_501 = tpu.memref_slice %arg9[%scan3A_474, %dma_start3A] : memref<16x257xf32, #tpu.memory_space<vmem>> -> memref<1x128xf32, #tpu.memory_space<vmem>>
          %dma_start3A_502 = tpu.memref_slice %arg2[%add3A_495, %multiple_of3A_500] : memref<4096x10100xf32, #tpu.memory_space<hbm>> -> memref<1x128xf32, #tpu.memory_space<hbm>>
          %dma_start3A_503 = arith.constant 0 : i32
          %dma_start3A_504 = tpu.memref_slice %arg9[%scan3A_474, %dma_start3A_503] : memref<16x257xf32, #tpu.memory_space<vmem>> -> memref<1x128xf32, #tpu.memory_space<vmem>>
          %dma_start3A_505 = tpu.memref_slice %arg2[%add3A_495, %multiple_of3A_500] : memref<4096x10100xf32, #tpu.memory_space<hbm>> -> memref<1x128xf32, #tpu.memory_space<hbm>>
          tpu.enqueue_dma source(%dma_start3A_505 : memref<1x128xf32, #tpu.memory_space<hbm>>) target(%dma_start3A_504 : memref<1x128xf32, #tpu.memory_space<vmem>>) target_semaphore(%arg12 : memref<!tpu.dma_semaphore, #tpu.memory_space<semaphore_mem>>)
          %lt3A_506 = arith.constant 77 : i32
          %lt3A_507 = arith.cmpi slt, %div3A_491, %lt3A_506 : i32
          %convert_element_type3A_508 = arith.extui %lt3A_507 : i1 to i32
          %cond3A_509 = arith.constant 0 : i32
          %cond3A_510 = arith.cmpi ne, %convert_element_type3A_508, %cond3A_509 : i32
          scf.if %cond3A_510 {
            %mul3A_517 = arith.constant 128 : i32
            %mul3A_518 = arith.muli %div3A_491, %mul3A_517 : i32
            %add3A_519 = arith.constant 128 : i32
            %add3A_520 = arith.addi %mul3A_518, %add3A_519 : i32
            %multiple_of3A_521 = tpu.assume_multiple %add3A_520, 128 : i32
            %dma_start3A_522 = arith.constant 128 : i32
            %dma_start3A_523 = tpu.memref_slice %arg9[%scan3A_474, %dma_start3A_522] : memref<16x257xf32, #tpu.memory_space<vmem>> -> memref<1x128xf32, #tpu.memory_space<vmem>>
            %dma_start3A_524 = tpu.memref_slice %arg2[%add3A_495, %multiple_of3A_521] : memref<4096x10100xf32, #tpu.memory_space<hbm>> -> memref<1x128xf32, #tpu.memory_space<hbm>>
            %dma_start3A_525 = arith.constant 128 : i32
            %dma_start3A_526 = tpu.memref_slice %arg9[%scan3A_474, %dma_start3A_525] : memref<16x257xf32, #tpu.memory_space<vmem>> -> memref<1x128xf32, #tpu.memory_space<vmem>>
            %dma_start3A_527 = tpu.memref_slice %arg2[%add3A_495, %multiple_of3A_521] : memref<4096x10100xf32, #tpu.memory_space<hbm>> -> memref<1x128xf32, #tpu.memory_space<hbm>>
            tpu.enqueue_dma source(%dma_start3A_527 : memref<1x128xf32, #tpu.memory_space<hbm>>) target(%dma_start3A_526 : memref<1x128xf32, #tpu.memory_space<vmem>>) target_semaphore(%arg12 : memref<!tpu.dma_semaphore, #tpu.memory_space<semaphore_mem>>)
          } else {
          }
          %ge3A_511 = arith.constant 77 : i32
          %ge3A_512 = arith.cmpi sge, %div3A_491, %ge3A_511 : i32
          %convert_element_type3A_513 = arith.extui %ge3A_512 : i1 to i32
          %cond3A_514 = arith.constant 0 : i32
          %cond3A_515 = arith.cmpi ne, %convert_element_type3A_513, %cond3A_514 : i32
          scf.if %cond3A_515 {
            %dma_start3A_517 = arith.constant 128 : i32
            %dma_start3A_518 = tpu.memref_slice %arg9[%scan3A_474, %dma_start3A_517] : memref<16x257xf32, #tpu.memory_space<vmem>> -> memref<1x128xf32, #tpu.memory_space<vmem>>
            %dma_start3A_519 = arith.constant 0 : i32
            %dma_start3A_520 = tpu.memref_slice %arg3[%add3A_495, %dma_start3A_519] : memref<4096x128xf32, #tpu.memory_space<hbm>> -> memref<1x128xf32, #tpu.memory_space<hbm>>
            %dma_start3A_521 = arith.constant 128 : i32
            %dma_start3A_522 = tpu.memref_slice %arg9[%scan3A_474, %dma_start3A_521] : memref<16x257xf32, #tpu.memory_space<vmem>> -> memref<1x128xf32, #tpu.memory_space<vmem>>
            %dma_start3A_523 = arith.constant 0 : i32
            %dma_start3A_524 = tpu.memref_slice %arg3[%add3A_495, %dma_start3A_523] : memref<4096x128xf32, #tpu.memory_space<hbm>> -> memref<1x128xf32, #tpu.memory_space<hbm>>
            tpu.enqueue_dma source(%dma_start3A_524 : memref<1x128xf32, #tpu.memory_space<hbm>>) target(%dma_start3A_522 : memref<1x128xf32, #tpu.memory_space<vmem>>) target_semaphore(%arg12 : memref<!tpu.dma_semaphore, #tpu.memory_space<semaphore_mem>>)
          } else {
          }
          %scan3A_516 = arith.constant 0 : i32
          scf.yield %scan3A_516 : i32
        }
        %scan3A_473 = arith.constant 16 : i32
      } else {
      }
      %dma_wait3A = arith.constant 0 : i32
      %dma_wait3A_43 = arith.constant 0 : i32
      %dma_wait3A_44 = tpu.memref_slice %arg8[%dma_wait3A, %dma_wait3A_43] : memref<16x257xf32, #tpu.memory_space<vmem>> -> memref<16x256xf32, #tpu.memory_space<vmem>>
      %dma_wait3A_45 = arith.constant 0 : i32
      %dma_wait3A_46 = tpu.memref_slice %arg2[%multiple_of3A, %dma_wait3A_45] : memref<4096x10100xf32, #tpu.memory_space<hbm>> -> memref<16x256xf32, #tpu.memory_space<hbm>>
      %dma_wait3A_47 = arith.constant 0 : i32
      %dma_wait3A_48 = arith.constant 0 : i32
      %dma_wait3A_49 = tpu.memref_slice %arg8[%dma_wait3A_47, %dma_wait3A_48] : memref<16x257xf32, #tpu.memory_space<vmem>> -> memref<16x256xf32, #tpu.memory_space<vmem>>
      %dma_wait3A_50 = arith.constant 0 : i32
      %dma_wait3A_51 = tpu.memref_slice %arg2[%multiple_of3A, %dma_wait3A_50] : memref<4096x10100xf32, #tpu.memory_space<hbm>> -> memref<16x256xf32, #tpu.memory_space<hbm>>
      tpu.wait_dma2 semaphore(%arg11 : memref<!tpu.dma_semaphore, #tpu.memory_space<semaphore_mem>>) src(%dma_wait3A_51 : memref<16x256xf32, #tpu.memory_space<hbm>>) dst(%dma_wait3A_49 : memref<16x256xf32, #tpu.memory_space<vmem>>)
      %mul3A_52 = arith.constant 16 : i32
      %mul3A_53 = arith.muli %add3A_38, %mul3A_52 : i32
      %add3A_54 = vector.broadcast %mul3A_53 : i32 to vector<16xi32>
      %add3A_55 = arith.addi %add3A_54, %iota3A : vector<16xi32>
      %mul3A_56 = arith.constant 16 : i32
      %mul3A_57 = arith.muli %add3A_38, %mul3A_56 : i32
      %get3A_58 = arith.index_cast %mul3A_57 : i32 to index
      %get3A_59 = tpu.vector_load %arg6[%get3A_58] {strides = array<i32>} : memref<128xi32, #tpu.memory_space<vmem>>, vector<16xi32>,
      %div3A = arith.constant 100 : i32
      %div3A_60 = vector.broadcast %div3A : i32 to vector<16xi32>
      %div3A_61 = arith.divsi %get3A_59, %div3A_60 : vector<16xi32>
      %mul3A_62 = arith.constant 100 : i32
      %mul3A_63 = vector.broadcast %mul3A_62 : i32 to vector<16xi32>
      %mul3A_64 = arith.muli %div3A_61, %mul3A_63 : vector<16xi32>
      %div3A_65 = arith.constant 128 : i32
      %div3A_66 = vector.broadcast %div3A_65 : i32 to vector<16xi32>
      %div3A_67 = arith.divsi %mul3A_64, %div3A_66 : vector<16xi32>
      %min3A = arith.constant 77 : i32
      %min3A_68 = vector.broadcast %min3A : i32 to vector<16xi32>
      %min3A_69 = arith.minsi %div3A_67, %min3A_68 : vector<16xi32>
      %mul3A_70 = arith.constant 128 : i32
      %mul3A_71 = vector.broadcast %mul3A_70 : i32 to vector<16xi32>
      %mul3A_72 = arith.muli %min3A_69, %mul3A_71 : vector<16xi32>
      %mul3A_73 = arith.constant 128 : i32
      %mul3A_74 = vector.broadcast %mul3A_73 : i32 to vector<16xi32>
      %mul3A_75 = arith.muli %div3A_67, %mul3A_74 : vector<16xi32>
      %add3A_76 = arith.constant 128 : i32
      %add3A_77 = vector.broadcast %add3A_76 : i32 to vector<16xi32>
      %add3A_78 = arith.addi %mul3A_75, %add3A_77 : vector<16xi32>
      %min3A_79 = arith.constant 9984 : i32
      %min3A_80 = vector.broadcast %min3A_79 : i32 to vector<16xi32>
      %min3A_81 = arith.minsi %add3A_78, %min3A_80 : vector<16xi32>
      %broadcast_in_dim3A_82 = arith.constant 0.000000e+00 : f32
      %broadcast_in_dim3A_83 = vector.broadcast %broadcast_in_dim3A_82 : f32 to vector<16xf32>
      %scan3A_84 = arith.constant 0 : i32
      %scan3A_85 = arith.constant 50 : i32
      %scan3A_86 = arith.addi %scan3A_84, %scan3A_85 : i32
      %scan3A_87 = arith.constant 1 : i32
      %scan3A_88:4 = scf.for %scan3A_461 = %scan3A_84 to %scan3A_86 step %scan3A_87 iter_args(%scan3A_462 = %broadcast_in_dim3A_83, %scan3A_463 = %broadcast_in_dim3A_83, %scan3A_464 = %broadcast_in_dim3A_83, %scan3A_465 = %broadcast_in_dim3A_83) -> (vector<16xf32>, vector<16xf32>, vector<16xf32>, vector<16xf32>)  : i32 {
        %mul3A_466 = arith.constant 2 : i32
        %mul3A_467 = arith.muli %mul3A_466, %scan3A_461 : i32
        %broadcast_in_dim3A_468 = vector.broadcast %mul3A_467 : i32 to vector<16xi32>
        %add3A_469 = arith.addi %mul3A_64, %broadcast_in_dim3A_468 : vector<16xi32>
        %add3A_470 = arith.constant 128 : i32
        %add3A_471 = vector.broadcast %add3A_470 : i32 to vector<16xi32>
        %add3A_472 = arith.addi %mul3A_72, %add3A_471 : vector<16xi32>
        %lt3A_473 = arith.cmpi slt, %add3A_469, %add3A_472 : vector<16xi32>
        %sub3A_474 = arith.subi %add3A_469, %mul3A_72 : vector<16xi32>
        %sub3A_475 = arith.subi %add3A_469, %min3A_81 : vector<16xi32>
        %add3A_476 = arith.constant 128 : i32
        %add3A_477 = vector.broadcast %add3A_476 : i32 to vector<16xi32>
        %add3A_478 = arith.addi %sub3A_475, %add3A_477 : vector<16xi32>
        %select_n3A_479 = arith.select %lt3A_473, %sub3A_474, %add3A_478 : vector<16xi1>, vector<16xi32>
        %gather3A_480 = tpu.vector_load_idx %arg8[%iota3A, %select_n3A_479] : memref<16x257xf32, #tpu.memory_space<vmem>>[vector<16xi32>, vector<16xi32>], vector<16xf32>,
        %add3A_481 = arith.constant 1 : i32
        %add3A_482 = vector.broadcast %add3A_481 : i32 to vector<16xi32>
        %add3A_483 = arith.addi %add3A_469, %add3A_482 : vector<16xi32>
        %add3A_484 = arith.constant 128 : i32
        %add3A_485 = vector.broadcast %add3A_484 : i32 to vector<16xi32>
        %add3A_486 = arith.addi %mul3A_72, %add3A_485 : vector<16xi32>
        %lt3A_487 = arith.cmpi slt, %add3A_483, %add3A_486 : vector<16xi32>
        %sub3A_488 = arith.subi %add3A_483, %mul3A_72 : vector<16xi32>
        %sub3A_489 = arith.subi %add3A_483, %min3A_81 : vector<16xi32>
        %add3A_490 = arith.constant 128 : i32
        %add3A_491 = vector.broadcast %add3A_490 : i32 to vector<16xi32>
        %add3A_492 = arith.addi %sub3A_489, %add3A_491 : vector<16xi32>
        %select_n3A_493 = arith.select %lt3A_487, %sub3A_488, %add3A_492 : vector<16xi1>, vector<16xi32>
        %gather3A_494 = tpu.vector_load_idx %arg8[%iota3A, %select_n3A_493] : memref<16x257xf32, #tpu.memory_space<vmem>>[vector<16xi32>, vector<16xi32>], vector<16xf32>,
        %mul3A_495 = arith.constant 2 : i32
        %mul3A_496 = arith.muli %mul3A_495, %scan3A_461 : i32
        %broadcast_in_dim3A_497 = vector.broadcast %mul3A_496 : i32 to vector<16xi32>
        %gather3A_498 = tpu.vector_load_idx %arg7[%add3A_55, %broadcast_in_dim3A_497] : memref<128x129xf32, #tpu.memory_space<vmem>>[vector<16xi32>, vector<16xi32>], vector<16xf32>,
        %mul3A_499 = arith.constant 2 : i32
        %mul3A_500 = arith.muli %mul3A_499, %scan3A_461 : i32
        %add3A_501 = arith.constant 1 : i32
        %add3A_502 = arith.addi %mul3A_500, %add3A_501 : i32
        %broadcast_in_dim3A_503 = vector.broadcast %add3A_502 : i32 to vector<16xi32>
        %gather3A_504 = tpu.vector_load_idx %arg7[%add3A_55, %broadcast_in_dim3A_503] : memref<128x129xf32, #tpu.memory_space<vmem>>[vector<16xi32>, vector<16xi32>], vector<16xf32>,
        %exp3A_505 = math.exp %gather3A_480 : vector<16xf32>
        %add3A_506 = arith.addf %scan3A_462, %exp3A_505 : vector<16xf32>
        %exp3A_507 = math.exp %gather3A_494 : vector<16xf32>
        %add3A_508 = arith.addf %scan3A_463, %exp3A_507 : vector<16xf32>
        %exp3A_509 = math.exp %gather3A_498 : vector<16xf32>
        %add3A_510 = arith.addf %scan3A_464, %exp3A_509 : vector<16xf32>
        %exp3A_511 = math.exp %gather3A_504 : vector<16xf32>
        %add3A_512 = arith.addf %scan3A_465, %exp3A_511 : vector<16xf32>
        scf.yield %add3A_506, %add3A_508, %add3A_510, %add3A_512 : vector<16xf32>, vector<16xf32>, vector<16xf32>, vector<16xf32>
      }
      %scan3A_89 = arith.constant 50 : i32
      %add3A_90 = arith.addf %scan3A_88#0, %scan3A_88#1 : vector<16xf32>
      %add3A_91 = arith.addf %scan3A_88#2, %scan3A_88#3 : vector<16xf32>
      %add3A_92 = arith.constant 128 : i32
      %add3A_93 = vector.broadcast %add3A_92 : i32 to vector<16xi32>
      %add3A_94 = arith.addi %mul3A_72, %add3A_93 : vector<16xi32>
      %lt3A_95 = arith.cmpi slt, %get3A_59, %add3A_94 : vector<16xi32>
      %sub3A = arith.subi %get3A_59, %mul3A_72 : vector<16xi32>
      %sub3A_96 = arith.subi %get3A_59, %min3A_81 : vector<16xi32>
      %add3A_97 = arith.constant 128 : i32
      %add3A_98 = vector.broadcast %add3A_97 : i32 to vector<16xi32>
      %add3A_99 = arith.addi %sub3A_96, %add3A_98 : vector<16xi32>
      %select_n3A = arith.select %lt3A_95, %sub3A, %add3A_99 : vector<16xi1>, vector<16xi32>
      %gather3A = tpu.vector_load_idx %arg8[%iota3A, %select_n3A] : memref<16x257xf32, #tpu.memory_space<vmem>>[vector<16xi32>, vector<16xi32>], vector<16xf32>,
      %sub3A_100 = arith.constant 1 : i32
      %sub3A_101 = vector.broadcast %sub3A_100 : i32 to vector<16xi32>
      %sub3A_102 = arith.subi %div3A_61, %sub3A_101 : vector<16xi32>
      %max3A = arith.constant 0 : i32
      %max3A_103 = vector.broadcast %max3A : i32 to vector<16xi32>
      %max3A_104 = arith.maxsi %sub3A_102, %max3A_103 : vector<16xi32>
      %gather3A_105 = tpu.vector_load_idx %arg7[%add3A_55, %max3A_104] : memref<128x129xf32, #tpu.memory_space<vmem>>[vector<16xi32>, vector<16xi32>], vector<16xf32>,
      %bitcast_convert_type3A = tpu.bitcast %add3A_90 : vector<16xf32> -> vector<16xi32>
      %shift_right_arithmetic3A = arith.constant 23 : i32
      %shift_right_arithmetic3A_106 = vector.broadcast %shift_right_arithmetic3A : i32 to vector<16xi32>
      %shift_right_arithmetic3A_107 = arith.shrsi %bitcast_convert_type3A, %shift_right_arithmetic3A_106 : vector<16xi32>
      %and3A = arith.constant 255 : i32
      %and3A_108 = vector.broadcast %and3A : i32 to vector<16xi32>
      %and3A_109 = arith.andi %shift_right_arithmetic3A_107, %and3A_108 : vector<16xi32>
      %sub3A_110 = arith.constant 127 : i32
      %sub3A_111 = vector.broadcast %sub3A_110 : i32 to vector<16xi32>
      %sub3A_112 = arith.subi %and3A_109, %sub3A_111 : vector<16xi32>
      %and3A_113 = arith.constant 8388607 : i32
      %and3A_114 = vector.broadcast %and3A_113 : i32 to vector<16xi32>
      %and3A_115 = arith.andi %bitcast_convert_type3A, %and3A_114 : vector<16xi32>
      %or3A = arith.constant 1065353216 : i32
      %or3A_116 = vector.broadcast %or3A : i32 to vector<16xi32>
      %or3A_117 = arith.ori %and3A_115, %or3A_116 : vector<16xi32>
      %bitcast_convert_type3A_118 = tpu.bitcast %or3A_117 : vector<16xi32> -> vector<16xf32>
      %sub3A_119 = arith.constant 1.000000e+00 : f32
      %sub3A_120 = vector.broadcast %sub3A_119 : f32 to vector<16xf32>
      %sub3A_121 = arith.subf %bitcast_convert_type3A_118, %sub3A_120 : vector<16xf32>
      %mul3A_122 = arith.constant 0.333333343 : f32
      %mul3A_123 = vector.broadcast %mul3A_122 : f32 to vector<16xf32>
      %mul3A_124 = arith.mulf %sub3A_121, %mul3A_123 : vector<16xf32>
      %add3A_125 = arith.constant -5.000000e-01 : f32
      %add3A_126 = vector.broadcast %add3A_125 : f32 to vector<16xf32>
      %add3A_127 = arith.addf %add3A_126, %mul3A_124 : vector<16xf32>
      %mul3A_128 = arith.mulf %sub3A_121, %add3A_127 : vector<16xf32>
      %add3A_129 = arith.constant 1.000000e+00 : f32
      %add3A_130 = vector.broadcast %add3A_129 : f32 to vector<16xf32>
      %add3A_131 = arith.addf %add3A_130, %mul3A_128 : vector<16xf32>
      %mul3A_132 = arith.mulf %sub3A_121, %add3A_131 : vector<16xf32>
      %sub3A_133 = arith.constant 1.000000e+00 : f32
      %sub3A_134 = vector.broadcast %sub3A_133 : f32 to vector<16xf32>
      %sub3A_135 = arith.subf %mul3A_132, %sub3A_134 : vector<16xf32>
      %neg3A = arith.constant 0.000000e+00 : f32
      %neg3A_136 = vector.broadcast %neg3A : f32 to vector<16xf32>
      %neg3A_137 = arith.subf %neg3A_136, %mul3A_132 : vector<16xf32>
      %exp3A = math.exp %neg3A_137 : vector<16xf32>
      %mul3A_138 = arith.mulf %bitcast_convert_type3A_118, %exp3A : vector<16xf32>
      %add3A_139 = arith.addf %sub3A_135, %mul3A_138 : vector<16xf32>
      %sub3A_140 = arith.constant 1.000000e+00 : f32
      %sub3A_141 = vector.broadcast %sub3A_140 : f32 to vector<16xf32>
      %sub3A_142 = arith.subf %add3A_139, %sub3A_141 : vector<16xf32>
      %neg3A_143 = arith.constant 0.000000e+00 : f32
      %neg3A_144 = vector.broadcast %neg3A_143 : f32 to vector<16xf32>
      %neg3A_145 = arith.subf %neg3A_144, %add3A_139 : vector<16xf32>
      %exp3A_146 = math.exp %neg3A_145 : vector<16xf32>
      %mul3A_147 = arith.mulf %bitcast_convert_type3A_118, %exp3A_146 : vector<16xf32>
      %add3A_148 = arith.addf %sub3A_142, %mul3A_147 : vector<16xf32>
      %sub3A_149 = arith.constant 1.000000e+00 : f32
      %sub3A_150 = vector.broadcast %sub3A_149 : f32 to vector<16xf32>
      %sub3A_151 = arith.subf %add3A_148, %sub3A_150 : vector<16xf32>
      %neg3A_152 = arith.constant 0.000000e+00 : f32
      %neg3A_153 = vector.broadcast %neg3A_152 : f32 to vector<16xf32>
      %neg3A_154 = arith.subf %neg3A_153, %add3A_148 : vector<16xf32>
      %exp3A_155 = math.exp %neg3A_154 : vector<16xf32>
      %mul3A_156 = arith.mulf %bitcast_convert_type3A_118, %exp3A_155 : vector<16xf32>
      %add3A_157 = arith.addf %sub3A_151, %mul3A_156 : vector<16xf32>
      %convert_element_type3A_158 = arith.sitofp %sub3A_112 : vector<16xi32> to vector<16xf32>
      %mul3A_159 = arith.constant 0.693147182 : f32
      %mul3A_160 = vector.broadcast %mul3A_159 : f32 to vector<16xf32>
      %mul3A_161 = arith.mulf %convert_element_type3A_158, %mul3A_160 : vector<16xf32>
      %add3A_162 = arith.addf %mul3A_161, %add3A_157 : vector<16xf32>
      %sub3A_163 = arith.subf %add3A_162, %gather3A : vector<16xf32>
      %ge3A = arith.constant 100 : i32
      %ge3A_164 = vector.broadcast %ge3A : i32 to vector<16xi32>
      %ge3A_165 = arith.cmpi sge, %get3A_59, %ge3A_164 : vector<16xi32>
      %bitcast_convert_type3A_166 = tpu.bitcast %add3A_91 : vector<16xf32> -> vector<16xi32>
      %shift_right_arithmetic3A_167 = arith.constant 23 : i32
      %shift_right_arithmetic3A_168 = vector.broadcast %shift_right_arithmetic3A_167 : i32 to vector<16xi32>
      %shift_right_arithmetic3A_169 = arith.shrsi %bitcast_convert_type3A_166, %shift_right_arithmetic3A_168 : vector<16xi32>
      %and3A_170 = arith.constant 255 : i32
      %and3A_171 = vector.broadcast %and3A_170 : i32 to vector<16xi32>
      %and3A_172 = arith.andi %shift_right_arithmetic3A_169, %and3A_171 : vector<16xi32>
      %sub3A_173 = arith.constant 127 : i32
      %sub3A_174 = vector.broadcast %sub3A_173 : i32 to vector<16xi32>
      %sub3A_175 = arith.subi %and3A_172, %sub3A_174 : vector<16xi32>
      %and3A_176 = arith.constant 8388607 : i32
      %and3A_177 = vector.broadcast %and3A_176 : i32 to vector<16xi32>
      %and3A_178 = arith.andi %bitcast_convert_type3A_166, %and3A_177 : vector<16xi32>
      %or3A_179 = arith.constant 1065353216 : i32
      %or3A_180 = vector.broadcast %or3A_179 : i32 to vector<16xi32>
      %or3A_181 = arith.ori %and3A_178, %or3A_180 : vector<16xi32>
      %bitcast_convert_type3A_182 = tpu.bitcast %or3A_181 : vector<16xi32> -> vector<16xf32>
      %sub3A_183 = arith.constant 1.000000e+00 : f32
      %sub3A_184 = vector.broadcast %sub3A_183 : f32 to vector<16xf32>
      %sub3A_185 = arith.subf %bitcast_convert_type3A_182, %sub3A_184 : vector<16xf32>
      %mul3A_186 = arith.constant 0.333333343 : f32
      %mul3A_187 = vector.broadcast %mul3A_186 : f32 to vector<16xf32>
      %mul3A_188 = arith.mulf %sub3A_185, %mul3A_187 : vector<16xf32>
      %add3A_189 = arith.constant -5.000000e-01 : f32
      %add3A_190 = vector.broadcast %add3A_189 : f32 to vector<16xf32>
      %add3A_191 = arith.addf %add3A_190, %mul3A_188 : vector<16xf32>
      %mul3A_192 = arith.mulf %sub3A_185, %add3A_191 : vector<16xf32>
      %add3A_193 = arith.constant 1.000000e+00 : f32
      %add3A_194 = vector.broadcast %add3A_193 : f32 to vector<16xf32>
      %add3A_195 = arith.addf %add3A_194, %mul3A_192 : vector<16xf32>
      %mul3A_196 = arith.mulf %sub3A_185, %add3A_195 : vector<16xf32>
      %sub3A_197 = arith.constant 1.000000e+00 : f32
      %sub3A_198 = vector.broadcast %sub3A_197 : f32 to vector<16xf32>
      %sub3A_199 = arith.subf %mul3A_196, %sub3A_198 : vector<16xf32>
      %neg3A_200 = arith.constant 0.000000e+00 : f32
      %neg3A_201 = vector.broadcast %neg3A_200 : f32 to vector<16xf32>
      %neg3A_202 = arith.subf %neg3A_201, %mul3A_196 : vector<16xf32>
      %exp3A_203 = math.exp %neg3A_202 : vector<16xf32>
      %mul3A_204 = arith.mulf %bitcast_convert_type3A_182, %exp3A_203 : vector<16xf32>
      %add3A_205 = arith.addf %sub3A_199, %mul3A_204 : vector<16xf32>
      %sub3A_206 = arith.constant 1.000000e+00 : f32
      %sub3A_207 = vector.broadcast %sub3A_206 : f32 to vector<16xf32>
      %sub3A_208 = arith.subf %add3A_205, %sub3A_207 : vector<16xf32>
      %neg3A_209 = arith.constant 0.000000e+00 : f32
      %neg3A_210 = vector.broadcast %neg3A_209 : f32 to vector<16xf32>
      %neg3A_211 = arith.subf %neg3A_210, %add3A_205 : vector<16xf32>
      %exp3A_212 = math.exp %neg3A_211 : vector<16xf32>
      %mul3A_213 = arith.mulf %bitcast_convert_type3A_182, %exp3A_212 : vector<16xf32>
      %add3A_214 = arith.addf %sub3A_208, %mul3A_213 : vector<16xf32>
      %sub3A_215 = arith.constant 1.000000e+00 : f32
      %sub3A_216 = vector.broadcast %sub3A_215 : f32 to vector<16xf32>
      %sub3A_217 = arith.subf %add3A_214, %sub3A_216 : vector<16xf32>
      %neg3A_218 = arith.constant 0.000000e+00 : f32
      %neg3A_219 = vector.broadcast %neg3A_218 : f32 to vector<16xf32>
      %neg3A_220 = arith.subf %neg3A_219, %add3A_214 : vector<16xf32>
      %exp3A_221 = math.exp %neg3A_220 : vector<16xf32>
      %mul3A_222 = arith.mulf %bitcast_convert_type3A_182, %exp3A_221 : vector<16xf32>
      %add3A_223 = arith.addf %sub3A_217, %mul3A_222 : vector<16xf32>
      %convert_element_type3A_224 = arith.sitofp %sub3A_175 : vector<16xi32> to vector<16xf32>
      %mul3A_225 = arith.constant 0.693147182 : f32
      %mul3A_226 = vector.broadcast %mul3A_225 : f32 to vector<16xf32>
      %mul3A_227 = arith.mulf %convert_element_type3A_224, %mul3A_226 : vector<16xf32>
      %add3A_228 = arith.addf %mul3A_227, %add3A_223 : vector<16xf32>
      %sub3A_229 = arith.subf %add3A_228, %gather3A_105 : vector<16xf32>
      %broadcast_in_dim3A_230 = arith.constant 0.000000e+00 : f32
      %broadcast_in_dim3A_231 = vector.broadcast %broadcast_in_dim3A_230 : f32 to vector<16xf32>
      %select_n3A_232 = arith.select %ge3A_165, %sub3A_229, %broadcast_in_dim3A_231 : vector<16xi1>, vector<16xf32>
      %add3A_233 = arith.addf %sub3A_163, %select_n3A_232 : vector<16xf32>
      %get3A_234 = arith.constant 0 : index
      %get3A_235 = tpu.vector_load %arg10[%get3A_234] {strides = array<i32>} : memref<16xf32, #tpu.memory_space<vmem>>, vector<16xf32>,
      %add3A_236 = arith.addf %get3A_235, %add3A_233 : vector<16xf32>
      %swap3A_237 = arith.constant 0 : index
      %swap3A_238 = tpu.vector_load %arg10[%swap3A_237] {strides = array<i32>} : memref<16xf32, #tpu.memory_space<vmem>>, vector<16xf32>,
      tpu.vector_store %arg10[%swap3A_237], %add3A_236 {strides = array<i32>} : memref<16xf32, #tpu.memory_space<vmem>>, vector<16xf32>,
      %mul3A_239 = arith.constant 2 : i32
      %mul3A_240 = arith.muli %scan3A_33, %mul3A_239 : i32
      %add3A_241 = arith.constant 1 : i32
      %add3A_242 = arith.addi %mul3A_240, %add3A_241 : i32
      %add3A_243 = arith.constant 1 : i32
      %add3A_244 = arith.addi %add3A_242, %add3A_243 : i32
      %lt3A_245 = arith.constant 8 : i32
      %lt3A_246 = arith.cmpi slt, %add3A_244, %lt3A_245 : i32
      %convert_element_type3A_247 = arith.extui %lt3A_246 : i1 to i32
      %cond3A_248 = arith.constant 0 : i32
      %cond3A_249 = arith.cmpi ne, %convert_element_type3A_247, %cond3A_248 : i32
      scf.if %cond3A_249 {
        %add3A_461 = arith.constant 1 : i32
        %add3A_462 = arith.addi %add3A_242, %add3A_461 : i32
        %mul3A_463 = arith.constant 16 : i32
        %mul3A_464 = arith.muli %add3A_462, %mul3A_463 : i32
        %get3A_465 = arith.index_cast %mul3A_464 : i32 to index
        %get3A_466 = tpu.vector_load %arg6[%get3A_465] {strides = array<i32>} : memref<128xi32, #tpu.memory_space<vmem>>, vector<16xi32>,
        %scan3A_467 = arith.constant 0 : i32
        %scan3A_468 = arith.constant 0 : i32
        %scan3A_469 = arith.constant 16 : i32
        %scan3A_470 = arith.addi %scan3A_468, %scan3A_469 : i32
        %scan3A_471 = arith.constant 1 : i32
        %scan3A_472 = scf.for %scan3A_474 = %scan3A_468 to %scan3A_470 step %scan3A_471 iter_args(%scan3A_475 = %scan3A_467) -> (i32)  : i32 {
          %eq3A = vector.broadcast %scan3A_474 : i32 to vector<16xi32>
          %eq3A_476 = arith.cmpi eq, %iota3A, %eq3A : vector<16xi32>
          %jit3A = arith.constant -1 : i32
          %broadcast_in_dim3A_477 = vector.broadcast %jit3A : i32 to vector<16xi32>
          %select_n3A_478 = arith.select %eq3A_476, %get3A_466, %broadcast_in_dim3A_477 : vector<16xi1>, vector<16xi32>
          %reduce_max3A = arith.constant true
          %reduce_max3A_479 = vector.broadcast %reduce_max3A : i1 to vector<16xi1>
          %reduce_max3A_480 = arith.constant -2147483648 : i32
          %reduce_max3A_481 = vector.broadcast %reduce_max3A_480 : i32 to vector<16xi32>
          %reduce_max3A_482 = arith.xori %select_n3A_478, %reduce_max3A_481 : vector<16xi32>
          %reduce_max3A_483 = tpu.scan <max>, %reduce_max3A_482 masked %reduce_max3A_479 : vector<16xi32>, vector<16xi1> -> vector<16xi32>
          %reduce_max3A_484 = arith.xori %reduce_max3A_483, %reduce_max3A_481 : vector<16xi32>
          %reduce_max3A_485 = vector.extract %reduce_max3A_484[15] : i32 from vector<16xi32>
          %div3A_486 = arith.constant 100 : i32
          %div3A_487 = arith.divsi %reduce_max3A_485, %div3A_486 : i32
          %mul3A_488 = arith.constant 100 : i32
          %mul3A_489 = arith.muli %div3A_487, %mul3A_488 : i32
          %div3A_490 = arith.constant 128 : i32
          %div3A_491 = arith.divsi %mul3A_489, %div3A_490 : i32
          %mul3A_492 = arith.constant 16 : i32
          %mul3A_493 = arith.muli %add3A_462, %mul3A_492 : i32
          %add3A_494 = arith.addi %multiple_of3A, %mul3A_493 : i32
          %add3A_495 = arith.addi %add3A_494, %scan3A_474 : i32
          %min3A_496 = arith.constant 77 : i32
          %min3A_497 = arith.minsi %div3A_491, %min3A_496 : i32
          %mul3A_498 = arith.constant 128 : i32
          %mul3A_499 = arith.muli %min3A_497, %mul3A_498 : i32
          %multiple_of3A_500 = tpu.assume_multiple %mul3A_499, 128 : i32
          %dma_start3A = arith.constant 0 : i32
          %dma_start3A_501 = tpu.memref_slice %arg8[%scan3A_474, %dma_start3A] : memref<16x257xf32, #tpu.memory_space<vmem>> -> memref<1x128xf32, #tpu.memory_space<vmem>>
          %dma_start3A_502 = tpu.memref_slice %arg2[%add3A_495, %multiple_of3A_500] : memref<4096x10100xf32, #tpu.memory_space<hbm>> -> memref<1x128xf32, #tpu.memory_space<hbm>>
          %dma_start3A_503 = arith.constant 0 : i32
          %dma_start3A_504 = tpu.memref_slice %arg8[%scan3A_474, %dma_start3A_503] : memref<16x257xf32, #tpu.memory_space<vmem>> -> memref<1x128xf32, #tpu.memory_space<vmem>>
          %dma_start3A_505 = tpu.memref_slice %arg2[%add3A_495, %multiple_of3A_500] : memref<4096x10100xf32, #tpu.memory_space<hbm>> -> memref<1x128xf32, #tpu.memory_space<hbm>>
          tpu.enqueue_dma source(%dma_start3A_505 : memref<1x128xf32, #tpu.memory_space<hbm>>) target(%dma_start3A_504 : memref<1x128xf32, #tpu.memory_space<vmem>>) target_semaphore(%arg11 : memref<!tpu.dma_semaphore, #tpu.memory_space<semaphore_mem>>)
          %lt3A_506 = arith.constant 77 : i32
          %lt3A_507 = arith.cmpi slt, %div3A_491, %lt3A_506 : i32
          %convert_element_type3A_508 = arith.extui %lt3A_507 : i1 to i32
          %cond3A_509 = arith.constant 0 : i32
          %cond3A_510 = arith.cmpi ne, %convert_element_type3A_508, %cond3A_509 : i32
          scf.if %cond3A_510 {
            %mul3A_517 = arith.constant 128 : i32
            %mul3A_518 = arith.muli %div3A_491, %mul3A_517 : i32
            %add3A_519 = arith.constant 128 : i32
            %add3A_520 = arith.addi %mul3A_518, %add3A_519 : i32
            %multiple_of3A_521 = tpu.assume_multiple %add3A_520, 128 : i32
            %dma_start3A_522 = arith.constant 128 : i32
            %dma_start3A_523 = tpu.memref_slice %arg8[%scan3A_474, %dma_start3A_522] : memref<16x257xf32, #tpu.memory_space<vmem>> -> memref<1x128xf32, #tpu.memory_space<vmem>>
            %dma_start3A_524 = tpu.memref_slice %arg2[%add3A_495, %multiple_of3A_521] : memref<4096x10100xf32, #tpu.memory_space<hbm>> -> memref<1x128xf32, #tpu.memory_space<hbm>>
            %dma_start3A_525 = arith.constant 128 : i32
            %dma_start3A_526 = tpu.memref_slice %arg8[%scan3A_474, %dma_start3A_525] : memref<16x257xf32, #tpu.memory_space<vmem>> -> memref<1x128xf32, #tpu.memory_space<vmem>>
            %dma_start3A_527 = tpu.memref_slice %arg2[%add3A_495, %multiple_of3A_521] : memref<4096x10100xf32, #tpu.memory_space<hbm>> -> memref<1x128xf32, #tpu.memory_space<hbm>>
            tpu.enqueue_dma source(%dma_start3A_527 : memref<1x128xf32, #tpu.memory_space<hbm>>) target(%dma_start3A_526 : memref<1x128xf32, #tpu.memory_space<vmem>>) target_semaphore(%arg11 : memref<!tpu.dma_semaphore, #tpu.memory_space<semaphore_mem>>)
          } else {
          }
          %ge3A_511 = arith.constant 77 : i32
          %ge3A_512 = arith.cmpi sge, %div3A_491, %ge3A_511 : i32
          %convert_element_type3A_513 = arith.extui %ge3A_512 : i1 to i32
          %cond3A_514 = arith.constant 0 : i32
          %cond3A_515 = arith.cmpi ne, %convert_element_type3A_513, %cond3A_514 : i32
          scf.if %cond3A_515 {
            %dma_start3A_517 = arith.constant 128 : i32
            %dma_start3A_518 = tpu.memref_slice %arg8[%scan3A_474, %dma_start3A_517] : memref<16x257xf32, #tpu.memory_space<vmem>> -> memref<1x128xf32, #tpu.memory_space<vmem>>
            %dma_start3A_519 = arith.constant 0 : i32
            %dma_start3A_520 = tpu.memref_slice %arg3[%add3A_495, %dma_start3A_519] : memref<4096x128xf32, #tpu.memory_space<hbm>> -> memref<1x128xf32, #tpu.memory_space<hbm>>
            %dma_start3A_521 = arith.constant 128 : i32
            %dma_start3A_522 = tpu.memref_slice %arg8[%scan3A_474, %dma_start3A_521] : memref<16x257xf32, #tpu.memory_space<vmem>> -> memref<1x128xf32, #tpu.memory_space<vmem>>
            %dma_start3A_523 = arith.constant 0 : i32
            %dma_start3A_524 = tpu.memref_slice %arg3[%add3A_495, %dma_start3A_523] : memref<4096x128xf32, #tpu.memory_space<hbm>> -> memref<1x128xf32, #tpu.memory_space<hbm>>
            tpu.enqueue_dma source(%dma_start3A_524 : memref<1x128xf32, #tpu.memory_space<hbm>>) target(%dma_start3A_522 : memref<1x128xf32, #tpu.memory_space<vmem>>) target_semaphore(%arg11 : memref<!tpu.dma_semaphore, #tpu.memory_space<semaphore_mem>>)
          } else {
          }
          %scan3A_516 = arith.constant 0 : i32
          scf.yield %scan3A_516 : i32
        }
        %scan3A_473 = arith.constant 16 : i32
      } else {
      }
      %dma_wait3A_250 = arith.constant 0 : i32
      %dma_wait3A_251 = arith.constant 0 : i32
      %dma_wait3A_252 = tpu.memref_slice %arg9[%dma_wait3A_250, %dma_wait3A_251] : memref<16x257xf32, #tpu.memory_space<vmem>> -> memref<16x256xf32, #tpu.memory_space<vmem>>
      %dma_wait3A_253 = arith.constant 0 : i32
      %dma_wait3A_254 = tpu.memref_slice %arg2[%multiple_of3A, %dma_wait3A_253] : memref<4096x10100xf32, #tpu.memory_space<hbm>> -> memref<16x256xf32, #tpu.memory_space<hbm>>
      %dma_wait3A_255 = arith.constant 0 : i32
      %dma_wait3A_256 = arith.constant 0 : i32
      %dma_wait3A_257 = tpu.memref_slice %arg9[%dma_wait3A_255, %dma_wait3A_256] : memref<16x257xf32, #tpu.memory_space<vmem>> -> memref<16x256xf32, #tpu.memory_space<vmem>>
      %dma_wait3A_258 = arith.constant 0 : i32
      %dma_wait3A_259 = tpu.memref_slice %arg2[%multiple_of3A, %dma_wait3A_258] : memref<4096x10100xf32, #tpu.memory_space<hbm>> -> memref<16x256xf32, #tpu.memory_space<hbm>>
      tpu.wait_dma2 semaphore(%arg12 : memref<!tpu.dma_semaphore, #tpu.memory_space<semaphore_mem>>) src(%dma_wait3A_259 : memref<16x256xf32, #tpu.memory_space<hbm>>) dst(%dma_wait3A_257 : memref<16x256xf32, #tpu.memory_space<vmem>>)
      %mul3A_260 = arith.constant 16 : i32
      %mul3A_261 = arith.muli %add3A_242, %mul3A_260 : i32
      %add3A_262 = vector.broadcast %mul3A_261 : i32 to vector<16xi32>
      %add3A_263 = arith.addi %add3A_262, %iota3A : vector<16xi32>
      %mul3A_264 = arith.constant 16 : i32
      %mul3A_265 = arith.muli %add3A_242, %mul3A_264 : i32
      %get3A_266 = arith.index_cast %mul3A_265 : i32 to index
      %get3A_267 = tpu.vector_load %arg6[%get3A_266] {strides = array<i32>} : memref<128xi32, #tpu.memory_space<vmem>>, vector<16xi32>,
      %div3A_268 = arith.constant 100 : i32
      %div3A_269 = vector.broadcast %div3A_268 : i32 to vector<16xi32>
      %div3A_270 = arith.divsi %get3A_267, %div3A_269 : vector<16xi32>
      %mul3A_271 = arith.constant 100 : i32
      %mul3A_272 = vector.broadcast %mul3A_271 : i32 to vector<16xi32>
      %mul3A_273 = arith.muli %div3A_270, %mul3A_272 : vector<16xi32>
      %div3A_274 = arith.constant 128 : i32
      %div3A_275 = vector.broadcast %div3A_274 : i32 to vector<16xi32>
      %div3A_276 = arith.divsi %mul3A_273, %div3A_275 : vector<16xi32>
      %min3A_277 = arith.constant 77 : i32
      %min3A_278 = vector.broadcast %min3A_277 : i32 to vector<16xi32>
      %min3A_279 = arith.minsi %div3A_276, %min3A_278 : vector<16xi32>
      %mul3A_280 = arith.constant 128 : i32
      %mul3A_281 = vector.broadcast %mul3A_280 : i32 to vector<16xi32>
      %mul3A_282 = arith.muli %min3A_279, %mul3A_281 : vector<16xi32>
      %mul3A_283 = arith.constant 128 : i32
      %mul3A_284 = vector.broadcast %mul3A_283 : i32 to vector<16xi32>
      %mul3A_285 = arith.muli %div3A_276, %mul3A_284 : vector<16xi32>
      %add3A_286 = arith.constant 128 : i32
      %add3A_287 = vector.broadcast %add3A_286 : i32 to vector<16xi32>
      %add3A_288 = arith.addi %mul3A_285, %add3A_287 : vector<16xi32>
      %min3A_289 = arith.constant 9984 : i32
      %min3A_290 = vector.broadcast %min3A_289 : i32 to vector<16xi32>
      %min3A_291 = arith.minsi %add3A_288, %min3A_290 : vector<16xi32>
      %broadcast_in_dim3A_292 = arith.constant 0.000000e+00 : f32
      %broadcast_in_dim3A_293 = vector.broadcast %broadcast_in_dim3A_292 : f32 to vector<16xf32>
      %scan3A_294 = arith.constant 0 : i32
      %scan3A_295 = arith.constant 50 : i32
      %scan3A_296 = arith.addi %scan3A_294, %scan3A_295 : i32
      %scan3A_297 = arith.constant 1 : i32
      %scan3A_298:4 = scf.for %scan3A_461 = %scan3A_294 to %scan3A_296 step %scan3A_297 iter_args(%scan3A_462 = %broadcast_in_dim3A_293, %scan3A_463 = %broadcast_in_dim3A_293, %scan3A_464 = %broadcast_in_dim3A_293, %scan3A_465 = %broadcast_in_dim3A_293) -> (vector<16xf32>, vector<16xf32>, vector<16xf32>, vector<16xf32>)  : i32 {
        %mul3A_466 = arith.constant 2 : i32
        %mul3A_467 = arith.muli %mul3A_466, %scan3A_461 : i32
        %broadcast_in_dim3A_468 = vector.broadcast %mul3A_467 : i32 to vector<16xi32>
        %add3A_469 = arith.addi %mul3A_273, %broadcast_in_dim3A_468 : vector<16xi32>
        %add3A_470 = arith.constant 128 : i32
        %add3A_471 = vector.broadcast %add3A_470 : i32 to vector<16xi32>
        %add3A_472 = arith.addi %mul3A_282, %add3A_471 : vector<16xi32>
        %lt3A_473 = arith.cmpi slt, %add3A_469, %add3A_472 : vector<16xi32>
        %sub3A_474 = arith.subi %add3A_469, %mul3A_282 : vector<16xi32>
        %sub3A_475 = arith.subi %add3A_469, %min3A_291 : vector<16xi32>
        %add3A_476 = arith.constant 128 : i32
        %add3A_477 = vector.broadcast %add3A_476 : i32 to vector<16xi32>
        %add3A_478 = arith.addi %sub3A_475, %add3A_477 : vector<16xi32>
        %select_n3A_479 = arith.select %lt3A_473, %sub3A_474, %add3A_478 : vector<16xi1>, vector<16xi32>
        %gather3A_480 = tpu.vector_load_idx %arg9[%iota3A, %select_n3A_479] : memref<16x257xf32, #tpu.memory_space<vmem>>[vector<16xi32>, vector<16xi32>], vector<16xf32>,
        %add3A_481 = arith.constant 1 : i32
        %add3A_482 = vector.broadcast %add3A_481 : i32 to vector<16xi32>
        %add3A_483 = arith.addi %add3A_469, %add3A_482 : vector<16xi32>
        %add3A_484 = arith.constant 128 : i32
        %add3A_485 = vector.broadcast %add3A_484 : i32 to vector<16xi32>
        %add3A_486 = arith.addi %mul3A_282, %add3A_485 : vector<16xi32>
        %lt3A_487 = arith.cmpi slt, %add3A_483, %add3A_486 : vector<16xi32>
        %sub3A_488 = arith.subi %add3A_483, %mul3A_282 : vector<16xi32>
        %sub3A_489 = arith.subi %add3A_483, %min3A_291 : vector<16xi32>
        %add3A_490 = arith.constant 128 : i32
        %add3A_491 = vector.broadcast %add3A_490 : i32 to vector<16xi32>
        %add3A_492 = arith.addi %sub3A_489, %add3A_491 : vector<16xi32>
        %select_n3A_493 = arith.select %lt3A_487, %sub3A_488, %add3A_492 : vector<16xi1>, vector<16xi32>
        %gather3A_494 = tpu.vector_load_idx %arg9[%iota3A, %select_n3A_493] : memref<16x257xf32, #tpu.memory_space<vmem>>[vector<16xi32>, vector<16xi32>], vector<16xf32>,
        %mul3A_495 = arith.constant 2 : i32
        %mul3A_496 = arith.muli %mul3A_495, %scan3A_461 : i32
        %broadcast_in_dim3A_497 = vector.broadcast %mul3A_496 : i32 to vector<16xi32>
        %gather3A_498 = tpu.vector_load_idx %arg7[%add3A_263, %broadcast_in_dim3A_497] : memref<128x129xf32, #tpu.memory_space<vmem>>[vector<16xi32>, vector<16xi32>], vector<16xf32>,
        %mul3A_499 = arith.constant 2 : i32
        %mul3A_500 = arith.muli %mul3A_499, %scan3A_461 : i32
        %add3A_501 = arith.constant 1 : i32
        %add3A_502 = arith.addi %mul3A_500, %add3A_501 : i32
        %broadcast_in_dim3A_503 = vector.broadcast %add3A_502 : i32 to vector<16xi32>
        %gather3A_504 = tpu.vector_load_idx %arg7[%add3A_263, %broadcast_in_dim3A_503] : memref<128x129xf32, #tpu.memory_space<vmem>>[vector<16xi32>, vector<16xi32>], vector<16xf32>,
        %exp3A_505 = math.exp %gather3A_480 : vector<16xf32>
        %add3A_506 = arith.addf %scan3A_462, %exp3A_505 : vector<16xf32>
        %exp3A_507 = math.exp %gather3A_494 : vector<16xf32>
        %add3A_508 = arith.addf %scan3A_463, %exp3A_507 : vector<16xf32>
        %exp3A_509 = math.exp %gather3A_498 : vector<16xf32>
        %add3A_510 = arith.addf %scan3A_464, %exp3A_509 : vector<16xf32>
        %exp3A_511 = math.exp %gather3A_504 : vector<16xf32>
        %add3A_512 = arith.addf %scan3A_465, %exp3A_511 : vector<16xf32>
        scf.yield %add3A_506, %add3A_508, %add3A_510, %add3A_512 : vector<16xf32>, vector<16xf32>, vector<16xf32>, vector<16xf32>
      }
      %scan3A_299 = arith.constant 50 : i32
      %add3A_300 = arith.addf %scan3A_298#0, %scan3A_298#1 : vector<16xf32>
      %add3A_301 = arith.addf %scan3A_298#2, %scan3A_298#3 : vector<16xf32>
      %add3A_302 = arith.constant 128 : i32
      %add3A_303 = vector.broadcast %add3A_302 : i32 to vector<16xi32>
      %add3A_304 = arith.addi %mul3A_282, %add3A_303 : vector<16xi32>
      %lt3A_305 = arith.cmpi slt, %get3A_267, %add3A_304 : vector<16xi32>
      %sub3A_306 = arith.subi %get3A_267, %mul3A_282 : vector<16xi32>
      %sub3A_307 = arith.subi %get3A_267, %min3A_291 : vector<16xi32>
      %add3A_308 = arith.constant 128 : i32
      %add3A_309 = vector.broadcast %add3A_308 : i32 to vector<16xi32>
      %add3A_310 = arith.addi %sub3A_307, %add3A_309 : vector<16xi32>
      %select_n3A_311 = arith.select %lt3A_305, %sub3A_306, %add3A_310 : vector<16xi1>, vector<16xi32>
      %gather3A_312 = tpu.vector_load_idx %arg9[%iota3A, %select_n3A_311] : memref<16x257xf32, #tpu.memory_space<vmem>>[vector<16xi32>, vector<16xi32>], vector<16xf32>,
      %sub3A_313 = arith.constant 1 : i32
      %sub3A_314 = vector.broadcast %sub3A_313 : i32 to vector<16xi32>
      %sub3A_315 = arith.subi %div3A_270, %sub3A_314 : vector<16xi32>
      %max3A_316 = arith.constant 0 : i32
      %max3A_317 = vector.broadcast %max3A_316 : i32 to vector<16xi32>
      %max3A_318 = arith.maxsi %sub3A_315, %max3A_317 : vector<16xi32>
      %gather3A_319 = tpu.vector_load_idx %arg7[%add3A_263, %max3A_318] : memref<128x129xf32, #tpu.memory_space<vmem>>[vector<16xi32>, vector<16xi32>], vector<16xf32>,
      %bitcast_convert_type3A_320 = tpu.bitcast %add3A_300 : vector<16xf32> -> vector<16xi32>
      %shift_right_arithmetic3A_321 = arith.constant 23 : i32
      %shift_right_arithmetic3A_322 = vector.broadcast %shift_right_arithmetic3A_321 : i32 to vector<16xi32>
      %shift_right_arithmetic3A_323 = arith.shrsi %bitcast_convert_type3A_320, %shift_right_arithmetic3A_322 : vector<16xi32>
      %and3A_324 = arith.constant 255 : i32
      %and3A_325 = vector.broadcast %and3A_324 : i32 to vector<16xi32>
      %and3A_326 = arith.andi %shift_right_arithmetic3A_323, %and3A_325 : vector<16xi32>
      %sub3A_327 = arith.constant 127 : i32
      %sub3A_328 = vector.broadcast %sub3A_327 : i32 to vector<16xi32>
      %sub3A_329 = arith.subi %and3A_326, %sub3A_328 : vector<16xi32>
      %and3A_330 = arith.constant 8388607 : i32
      %and3A_331 = vector.broadcast %and3A_330 : i32 to vector<16xi32>
      %and3A_332 = arith.andi %bitcast_convert_type3A_320, %and3A_331 : vector<16xi32>
      %or3A_333 = arith.constant 1065353216 : i32
      %or3A_334 = vector.broadcast %or3A_333 : i32 to vector<16xi32>
      %or3A_335 = arith.ori %and3A_332, %or3A_334 : vector<16xi32>
      %bitcast_convert_type3A_336 = tpu.bitcast %or3A_335 : vector<16xi32> -> vector<16xf32>
      %sub3A_337 = arith.constant 1.000000e+00 : f32
      %sub3A_338 = vector.broadcast %sub3A_337 : f32 to vector<16xf32>
      %sub3A_339 = arith.subf %bitcast_convert_type3A_336, %sub3A_338 : vector<16xf32>
      %mul3A_340 = arith.constant 0.333333343 : f32
      %mul3A_341 = vector.broadcast %mul3A_340 : f32 to vector<16xf32>
      %mul3A_342 = arith.mulf %sub3A_339, %mul3A_341 : vector<16xf32>
      %add3A_343 = arith.constant -5.000000e-01 : f32
      %add3A_344 = vector.broadcast %add3A_343 : f32 to vector<16xf32>
      %add3A_345 = arith.addf %add3A_344, %mul3A_342 : vector<16xf32>
      %mul3A_346 = arith.mulf %sub3A_339, %add3A_345 : vector<16xf32>
      %add3A_347 = arith.constant 1.000000e+00 : f32
      %add3A_348 = vector.broadcast %add3A_347 : f32 to vector<16xf32>
      %add3A_349 = arith.addf %add3A_348, %mul3A_346 : vector<16xf32>
      %mul3A_350 = arith.mulf %sub3A_339, %add3A_349 : vector<16xf32>
      %sub3A_351 = arith.constant 1.000000e+00 : f32
      %sub3A_352 = vector.broadcast %sub3A_351 : f32 to vector<16xf32>
      %sub3A_353 = arith.subf %mul3A_350, %sub3A_352 : vector<16xf32>
      %neg3A_354 = arith.constant 0.000000e+00 : f32
      %neg3A_355 = vector.broadcast %neg3A_354 : f32 to vector<16xf32>
      %neg3A_356 = arith.subf %neg3A_355, %mul3A_350 : vector<16xf32>
      %exp3A_357 = math.exp %neg3A_356 : vector<16xf32>
      %mul3A_358 = arith.mulf %bitcast_convert_type3A_336, %exp3A_357 : vector<16xf32>
      %add3A_359 = arith.addf %sub3A_353, %mul3A_358 : vector<16xf32>
      %sub3A_360 = arith.constant 1.000000e+00 : f32
      %sub3A_361 = vector.broadcast %sub3A_360 : f32 to vector<16xf32>
      %sub3A_362 = arith.subf %add3A_359, %sub3A_361 : vector<16xf32>
      %neg3A_363 = arith.constant 0.000000e+00 : f32
      %neg3A_364 = vector.broadcast %neg3A_363 : f32 to vector<16xf32>
      %neg3A_365 = arith.subf %neg3A_364, %add3A_359 : vector<16xf32>
      %exp3A_366 = math.exp %neg3A_365 : vector<16xf32>
      %mul3A_367 = arith.mulf %bitcast_convert_type3A_336, %exp3A_366 : vector<16xf32>
      %add3A_368 = arith.addf %sub3A_362, %mul3A_367 : vector<16xf32>
      %sub3A_369 = arith.constant 1.000000e+00 : f32
      %sub3A_370 = vector.broadcast %sub3A_369 : f32 to vector<16xf32>
      %sub3A_371 = arith.subf %add3A_368, %sub3A_370 : vector<16xf32>
      %neg3A_372 = arith.constant 0.000000e+00 : f32
      %neg3A_373 = vector.broadcast %neg3A_372 : f32 to vector<16xf32>
      %neg3A_374 = arith.subf %neg3A_373, %add3A_368 : vector<16xf32>
      %exp3A_375 = math.exp %neg3A_374 : vector<16xf32>
      %mul3A_376 = arith.mulf %bitcast_convert_type3A_336, %exp3A_375 : vector<16xf32>
      %add3A_377 = arith.addf %sub3A_371, %mul3A_376 : vector<16xf32>
      %convert_element_type3A_378 = arith.sitofp %sub3A_329 : vector<16xi32> to vector<16xf32>
      %mul3A_379 = arith.constant 0.693147182 : f32
      %mul3A_380 = vector.broadcast %mul3A_379 : f32 to vector<16xf32>
      %mul3A_381 = arith.mulf %convert_element_type3A_378, %mul3A_380 : vector<16xf32>
      %add3A_382 = arith.addf %mul3A_381, %add3A_377 : vector<16xf32>
      %sub3A_383 = arith.subf %add3A_382, %gather3A_312 : vector<16xf32>
      %ge3A_384 = arith.constant 100 : i32
      %ge3A_385 = vector.broadcast %ge3A_384 : i32 to vector<16xi32>
      %ge3A_386 = arith.cmpi sge, %get3A_267, %ge3A_385 : vector<16xi32>
      %bitcast_convert_type3A_387 = tpu.bitcast %add3A_301 : vector<16xf32> -> vector<16xi32>
      %shift_right_arithmetic3A_388 = arith.constant 23 : i32
      %shift_right_arithmetic3A_389 = vector.broadcast %shift_right_arithmetic3A_388 : i32 to vector<16xi32>
      %shift_right_arithmetic3A_390 = arith.shrsi %bitcast_convert_type3A_387, %shift_right_arithmetic3A_389 : vector<16xi32>
      %and3A_391 = arith.constant 255 : i32
      %and3A_392 = vector.broadcast %and3A_391 : i32 to vector<16xi32>
      %and3A_393 = arith.andi %shift_right_arithmetic3A_390, %and3A_392 : vector<16xi32>
      %sub3A_394 = arith.constant 127 : i32
      %sub3A_395 = vector.broadcast %sub3A_394 : i32 to vector<16xi32>
      %sub3A_396 = arith.subi %and3A_393, %sub3A_395 : vector<16xi32>
      %and3A_397 = arith.constant 8388607 : i32
      %and3A_398 = vector.broadcast %and3A_397 : i32 to vector<16xi32>
      %and3A_399 = arith.andi %bitcast_convert_type3A_387, %and3A_398 : vector<16xi32>
      %or3A_400 = arith.constant 1065353216 : i32
      %or3A_401 = vector.broadcast %or3A_400 : i32 to vector<16xi32>
      %or3A_402 = arith.ori %and3A_399, %or3A_401 : vector<16xi32>
      %bitcast_convert_type3A_403 = tpu.bitcast %or3A_402 : vector<16xi32> -> vector<16xf32>
      %sub3A_404 = arith.constant 1.000000e+00 : f32
      %sub3A_405 = vector.broadcast %sub3A_404 : f32 to vector<16xf32>
      %sub3A_406 = arith.subf %bitcast_convert_type3A_403, %sub3A_405 : vector<16xf32>
      %mul3A_407 = arith.constant 0.333333343 : f32
      %mul3A_408 = vector.broadcast %mul3A_407 : f32 to vector<16xf32>
      %mul3A_409 = arith.mulf %sub3A_406, %mul3A_408 : vector<16xf32>
      %add3A_410 = arith.constant -5.000000e-01 : f32
      %add3A_411 = vector.broadcast %add3A_410 : f32 to vector<16xf32>
      %add3A_412 = arith.addf %add3A_411, %mul3A_409 : vector<16xf32>
      %mul3A_413 = arith.mulf %sub3A_406, %add3A_412 : vector<16xf32>
      %add3A_414 = arith.constant 1.000000e+00 : f32
      %add3A_415 = vector.broadcast %add3A_414 : f32 to vector<16xf32>
      %add3A_416 = arith.addf %add3A_415, %mul3A_413 : vector<16xf32>
      %mul3A_417 = arith.mulf %sub3A_406, %add3A_416 : vector<16xf32>
      %sub3A_418 = arith.constant 1.000000e+00 : f32
      %sub3A_419 = vector.broadcast %sub3A_418 : f32 to vector<16xf32>
      %sub3A_420 = arith.subf %mul3A_417, %sub3A_419 : vector<16xf32>
      %neg3A_421 = arith.constant 0.000000e+00 : f32
      %neg3A_422 = vector.broadcast %neg3A_421 : f32 to vector<16xf32>
      %neg3A_423 = arith.subf %neg3A_422, %mul3A_417 : vector<16xf32>
      %exp3A_424 = math.exp %neg3A_423 : vector<16xf32>
      %mul3A_425 = arith.mulf %bitcast_convert_type3A_403, %exp3A_424 : vector<16xf32>
      %add3A_426 = arith.addf %sub3A_420, %mul3A_425 : vector<16xf32>
      %sub3A_427 = arith.constant 1.000000e+00 : f32
      %sub3A_428 = vector.broadcast %sub3A_427 : f32 to vector<16xf32>
      %sub3A_429 = arith.subf %add3A_426, %sub3A_428 : vector<16xf32>
      %neg3A_430 = arith.constant 0.000000e+00 : f32
      %neg3A_431 = vector.broadcast %neg3A_430 : f32 to vector<16xf32>
      %neg3A_432 = arith.subf %neg3A_431, %add3A_426 : vector<16xf32>
      %exp3A_433 = math.exp %neg3A_432 : vector<16xf32>
      %mul3A_434 = arith.mulf %bitcast_convert_type3A_403, %exp3A_433 : vector<16xf32>
      %add3A_435 = arith.addf %sub3A_429, %mul3A_434 : vector<16xf32>
      %sub3A_436 = arith.constant 1.000000e+00 : f32
      %sub3A_437 = vector.broadcast %sub3A_436 : f32 to vector<16xf32>
      %sub3A_438 = arith.subf %add3A_435, %sub3A_437 : vector<16xf32>
      %neg3A_439 = arith.constant 0.000000e+00 : f32
      %neg3A_440 = vector.broadcast %neg3A_439 : f32 to vector<16xf32>
      %neg3A_441 = arith.subf %neg3A_440, %add3A_435 : vector<16xf32>
      %exp3A_442 = math.exp %neg3A_441 : vector<16xf32>
      %mul3A_443 = arith.mulf %bitcast_convert_type3A_403, %exp3A_442 : vector<16xf32>
      %add3A_444 = arith.addf %sub3A_438, %mul3A_443 : vector<16xf32>
      %convert_element_type3A_445 = arith.sitofp %sub3A_396 : vector<16xi32> to vector<16xf32>
      %mul3A_446 = arith.constant 0.693147182 : f32
      %mul3A_447 = vector.broadcast %mul3A_446 : f32 to vector<16xf32>
      %mul3A_448 = arith.mulf %convert_element_type3A_445, %mul3A_447 : vector<16xf32>
      %add3A_449 = arith.addf %mul3A_448, %add3A_444 : vector<16xf32>
      %sub3A_450 = arith.subf %add3A_449, %gather3A_319 : vector<16xf32>
      %broadcast_in_dim3A_451 = arith.constant 0.000000e+00 : f32
      %broadcast_in_dim3A_452 = vector.broadcast %broadcast_in_dim3A_451 : f32 to vector<16xf32>
      %select_n3A_453 = arith.select %ge3A_386, %sub3A_450, %broadcast_in_dim3A_452 : vector<16xi1>, vector<16xf32>
      %add3A_454 = arith.addf %sub3A_383, %select_n3A_453 : vector<16xf32>
      %get3A_455 = arith.constant 0 : index
      %get3A_456 = tpu.vector_load %arg10[%get3A_455] {strides = array<i32>} : memref<16xf32, #tpu.memory_space<vmem>>, vector<16xf32>,
      %add3A_457 = arith.addf %get3A_456, %add3A_454 : vector<16xf32>
      %swap3A_458 = arith.constant 0 : index
      %swap3A_459 = tpu.vector_load %arg10[%swap3A_458] {strides = array<i32>} : memref<16xf32, #tpu.memory_space<vmem>>, vector<16xf32>,
      tpu.vector_store %arg10[%swap3A_458], %add3A_457 {strides = array<i32>} : memref<16xf32, #tpu.memory_space<vmem>>, vector<16xf32>,
      %scan3A_460 = arith.constant 0 : i32
      scf.yield %scan3A_460 : i32
    }
    %scan3A_32 = arith.constant 4 : i32
    "tpu.region"() ({
      %run_scoped3A = tpu.sem_alloc : memref<!tpu.dma_semaphore, #tpu.memory_space<semaphore_mem>>
      %dma_start3A = arith.constant 0 : i32
      %dma_start3A_33 = tpu.memref_slice %arg5[%add3A, %dma_start3A] : memref<32x16xf32, #tpu.memory_space<hbm>> -> memref<1x16xf32, #tpu.memory_space<hbm>>
      %dma_start3A_34 = tpu.memref_squeeze %dma_start3A_33 : memref<1x16xf32, #tpu.memory_space<hbm>> -> memref<16xf32, #tpu.memory_space<hbm>>
      %dma_start3A_35 = arith.constant 0 : i32
      %dma_start3A_36 = tpu.memref_slice %arg5[%add3A, %dma_start3A_35] : memref<32x16xf32, #tpu.memory_space<hbm>> -> memref<1x16xf32, #tpu.memory_space<hbm>>
      %dma_start3A_37 = tpu.memref_squeeze %dma_start3A_36 : memref<1x16xf32, #tpu.memory_space<hbm>> -> memref<16xf32, #tpu.memory_space<hbm>>
      tpu.enqueue_dma source(%arg10 : memref<16xf32, #tpu.memory_space<vmem>>) target(%dma_start3A_37 : memref<16xf32, #tpu.memory_space<hbm>>) target_semaphore(%run_scoped3A : memref<!tpu.dma_semaphore, #tpu.memory_space<semaphore_mem>>)
      %dma_wait3A = arith.constant 0 : i32
      %dma_wait3A_38 = tpu.memref_slice %arg5[%add3A, %dma_wait3A] : memref<32x16xf32, #tpu.memory_space<hbm>> -> memref<1x16xf32, #tpu.memory_space<hbm>>
      %dma_wait3A_39 = tpu.memref_squeeze %dma_wait3A_38 : memref<1x16xf32, #tpu.memory_space<hbm>> -> memref<16xf32, #tpu.memory_space<hbm>>
      %dma_wait3A_40 = arith.constant 0 : i32
      %dma_wait3A_41 = tpu.memref_slice %arg5[%add3A, %dma_wait3A_40] : memref<32x16xf32, #tpu.memory_space<hbm>> -> memref<1x16xf32, #tpu.memory_space<hbm>>
      %dma_wait3A_42 = tpu.memref_squeeze %dma_wait3A_41 : memref<1x16xf32, #tpu.memory_space<hbm>> -> memref<16xf32, #tpu.memory_space<hbm>>
      tpu.wait_dma2 semaphore(%run_scoped3A : memref<!tpu.dma_semaphore, #tpu.memory_space<semaphore_mem>>) src(%arg10 : memref<16xf32, #tpu.memory_space<vmem>>) dst(%dma_wait3A_42 : memref<16xf32, #tpu.memory_space<hbm>>)
      tpu.yield
    }) : () -> ()
    return
  }
}

</mosaic_0001>

<sc_bundles>
// kernel: _run.3.cloned.1.call-start
scs
__scs_entry_jumppad:
0x0: {  	(pc) =	sbr.rel $0x88, $3  }
0x1: {  	(tag) =	ssettag $0x0;
	lr =	simm.s32 $0x1  }
0x2: {  	[smem:$0x3F9E] =	sst lr;
	_ =	strace $0xD0000000  }
0x3: {  	_ = 	snop  }
0x4: {  	_ = 	snop  }
0x5: {  	_ = 	snop  }
0x6: {  	_ = 	snop  }
0x7: {  	_ = 	snop  }
__scs_overlays_trampoline_lowered:
0x8: {  	[smem:$0x3FAD] =	sst s0  }
0x9: {  	[smem:$0x3FAE] =	sst s1  }
0xa: {  	[smem:$0x3FAF] =	sst s2  }
0xb: {  	[smem:$0x3FB0] =	sst s3  }
0xc: {  	[smem:$0x3FB1] =	sst s4  }
0xd: {  	[smem:$0x3FB2] =	sst s5  }
0xe: {  	[smem:$0x3FB3] =	sst s6  }
0xf: {  	[smem:$0x3FB4] =	sst s7  }
0x10: {  	[smem:$0x3FB5] =	sst s8  }
0x11: {  	[smem:$0x3FB6] =	sst s9;
	s0 =	simm.s32 @!p0 $0x0  }
0x12: {  	s1 =	sld [smem:$0x3F9C];
	s0 =	simm.s32 @p0 $0x1  }
0x13: {  	[smem:$0x3FB7] =	sst s0;
	s0 =	simm.s32 @!p1 $0x0  }
0x14: {  	s2 =	sld [smem:$0x3F9B];
	s0 =	simm.s32 @p1 $0x1  }
0x15: {  	[smem:$0x3FB8] =	sst s0;
	s0 =	simm.s32 @!p2 $0x0  }
0x16: {  	s3 =	sld [smem:$0x3FDB];
	s0 =	simm.s32 @p2 $0x1  }
0x17: {  	s4 =	simm.s32 $0x1BF5;
	[smem:$0x3FBA] =	sst s0  }
0x18: {  	s0 =	sld [smem:$0x3F9D];
	_ =	swait.ge [sflag:s4], $0x0  }
0x19: {  	s7 =	sld [smem:$0x3F9E]  }
0x1a: {  	s8 =	sadd.s32 $0xFFFFE003, lr  }
0x1b: {  	s9 =	sadd.s32 $0xFFFFFEF7, lr;
	s5 =	simm.s32 $0xFFFFFFFF;
	p2 =	slt.u32 s8, $0xFFFFF086  }
0x1c: {  	p1 =	slt.u32 s9, $0xF7A;
	s5 =	simm.s32 @!p2 $0x0  }
0x1d: {  	s5 =	simm.s32 @p1 $0x1;
	p0 =	seq.s32 s7, s2  }
0x1e: {  	s7 =	smul.u32 @!p0 $0xF7A, s2;
	p2 =	seq.s32 @!p0 s5, $0x0  }
0x1f: {  	s9 =	smul.u32 $0xF7A, s1;
	s8 =	simm.s32 @!p0 $0x1BF5;
	p2 =	por !p2, p0  }
0x20: {  	[sflag:s8] =	ssyncset.s32 @!p0 $0xFFFFF086;
	s6 =	sadd.s32 @!p0 s3, s7;
	s7 =	simm.s32 @!p0 $0x108  }
0x21: {  	s3 =	sadd.s32 s3, s9;
	s6 =	sadd.s32 @!p0 $0x88, s6;
	s7 =	simm.s32 @p2 $0x1082  }
0x22: {  	[simem:s7], [sflag:s8] =	dma.local @!p0 [hbm:s6], $0xF7A  }
0x23: {  	s9 =	sor.u32 $0xD0000000, s2;
	s6 =	simm.s32 $0x108;
	_ =	swait.ge @!p0 [sflag:s8], $0x0  }
0x24: {  	s3 =	sadd.s32 $0x88, s3;
	s6 =	simm.s32 @!p1 $0x1082;
	[sflag:s4] =	ssyncset.s32 $0xFFFFF086  }
0x25: {  	[simem:s6], [sflag:s4] =	dma.local [hbm:s3], $0xF7A  }
0x26: {  	[smem:$0x3F9E] =	sst s1;
	(tag) =	ssettag s2;
	_ =	strace s9  }
0x27: {  	s1 =	sld [smem:$0x3FAE]  }
0x28: {  	s2 =	sld [smem:$0x3FAF]  }
0x29: {  	s4 =	sld [smem:$0x3FB1]  }
0x2a: {  	p0 =	seq.s32 s5, $0x0;
	s5 =	sld [smem:$0x3FB2]  }
0x2b: {  	s6 =	sld [smem:$0x3FB3]  }
0x2c: {  	s7 =	sld [smem:$0x3FB4]  }
0x2d: {  	s3 =	simm.s32 $0x108;
	s8 =	sld [smem:$0x3FB5]  }
0x2e: {  	s3 =	simm.s32 @!p0 $0x1082;
	s9 =	sld [smem:$0x3FB6]  }
0x2f: {  	lr =	sadd.s32 s0, s3;
	s0 =	sld [smem:$0x3FAD]  }
0x30: {  	s3 =	sld [smem:$0x3FB0]  }
0x31: {  	[smem:$0x3FB9] =	sst s10  }
0x32: {  	s10 =	sld [smem:$0x3FB7];
	_ =	sdelay $0x3  }
0x33: {  	p0 =	seq.s32 s10, $0x1;
	s10 =	sld [smem:$0x3FB9];
	_ =	sdelay $0x3  }
0x34: {  	[smem:$0x3FB9] =	sst s10  }
0x35: {  	s10 =	sld [smem:$0x3FB8];
	_ =	sdelay $0x3  }
0x36: {  	p1 =	seq.s32 s10, $0x1;
	s10 =	sld [smem:$0x3FB9];
	_ =	sdelay $0x3  }
0x37: {  	[smem:$0x3FB9] =	sst s10  }
0x38: {  	s10 =	sld [smem:$0x3FBA]  }
0x39: {  	_ = 	snop;
	(pc) =	sbr.ind lr, $3  }
0x3a: {  	_ = 	snop  }
0x3b: {  	_ = 	snop  }
0x3c: {  	p2 =	seq.s32 s10, $0x1;
	s10 =	sld [smem:$0x3FB9]  }
0x3d: {  	_ =	shalt  }
0x3e: {  	_ =	shalt  }
0x3f: {  	_ =	shalt  }
0x40: {  	_ =	shalt  }
0x41: {  	_ =	shalt  }
0x42: {  	_ =	shalt  }
0x43: {  	_ =	shalt  }
0x44: {  	_ =	shalt  }
0x45: {  	_ =	shalt  }
0x46: {  	_ =	shalt  }
0x47: {  	_ =	shalt  }
0x48: {  	_ =	shalt  }
0x49: {  	_ =	shalt  }
0x4a: {  	_ =	shalt  }
0x4b: {  	_ =	shalt  }
0x4c: {  	_ =	shalt  }
0x4d: {  	_ =	shalt  }
0x4e: {  	_ =	shalt  }
0x4f: {  	_ =	shalt  }
0x50: {  	_ =	shalt  }
0x51: {  	_ =	shalt  }
0x52: {  	_ =	shalt  }
0x53: {  	_ =	shalt  }
0x54: {  	_ =	shalt  }
0x55: {  	_ =	shalt  }
0x56: {  	_ =	shalt  }
0x57: {  	_ =	shalt  }
0x58: {  	_ =	shalt  }
0x59: {  	_ =	shalt  }
0x5a: {  	_ =	shalt  }
0x5b: {  	_ =	shalt  }
0x5c: {  	_ =	shalt  }
0x5d: {  	_ =	shalt  }
0x5e: {  	_ =	shalt  }
0x5f: {  	_ =	shalt  }
0x60: {  	_ =	shalt  }
0x61: {  	_ =	shalt  }
0x62: {  	_ =	shalt  }
0x63: {  	_ =	shalt  }
0x64: {  	_ =	shalt  }
0x65: {  	_ =	shalt  }
0x66: {  	_ =	shalt  }
0x67: {  	_ =	shalt  }
0x68: {  	_ =	shalt  }
0x69: {  	_ =	shalt  }
0x6a: {  	_ =	shalt  }
0x6b: {  	_ =	shalt  }
0x6c: {  	_ =	shalt  }
0x6d: {  	_ =	shalt  }
0x6e: {  	_ =	shalt  }
0x6f: {  	_ =	shalt  }
0x70: {  	_ =	shalt  }
0x71: {  	_ =	shalt  }
0x72: {  	_ =	shalt  }
0x73: {  	_ =	shalt  }
0x74: {  	_ =	shalt  }
0x75: {  	_ =	shalt  }
0x76: {  	_ =	shalt  }
0x77: {  	_ =	shalt  }
0x78: {  	_ =	shalt  }
0x79: {  	_ =	shalt  }
0x7a: {  	_ =	shalt  }
0x7b: {  	_ =	shalt  }
0x7c: {  	_ =	shalt  }
0x7d: {  	_ =	shalt  }
0x7e: {  	_ =	shalt  }
0x7f: {  	_ =	shalt  }
0x80: {  	_ =	shalt  }
0x81: {  	_ =	shalt  }
0x82: {  	_ =	shalt  }
0x83: {  	_ =	shalt  }
0x84: {  	_ =	shalt  }
0x85: {  	_ =	shalt  }
0x86: {  	_ =	shalt  }
0x87: {  	_ =	shalt  }
.Lfunc_end0:
.L_simem_size_0:
called_computation_lowered:
.L_overlay_start_0:
0x88: {  	s2 =	sld [smem:$0x3FD9]  }
0x89: {  	s3 =	sld [smem:$0x3FFE];
	_ =	sdelay $0x1  }
0x8a: {  	s1 =	srdreg.scid  }
0x8b: {  	s0 =	sand.u32 $0x1, s1  }
0x8c: {  	s17 =	sshll.u32 s0, $0xA;
	s2 =	sadd.s32 s3, s2  }
0x8d: {  	s2 =	sadd.s32 s2, s17  }
0x8e: {  	[smem:$0x3FC5] =	sst s2  }
0x8f: {  	_ = 	snop  }
0x90: {  	s2 =	sld [smem:$0x3FC8]  }
0x91: {  	s18 =	sld [smem:$0x3FC7];
	(tm) =	ssettm $0x1  }
0x92: {  	s4 =	sld [smem:$0x3FFB];
	_ =	sdelay $0x3  }
0x93: {  	_ =	strace s4  }
0x94: {  	s4 =	sld [smem:$0x3FFC];
	_ =	sdelay $0x3  }
0x95: {  	_ =	strace s4  }
0x96: {  	s4 =	sld [smem:$0x3FFD];
	_ =	sdelay $0x3  }
0x97: {  	_ =	strace s4  }
0x98: {  	_ =	strace $0x8FFFFFFF  }
0x99: {  	s19 =	sld [smem:$0x3FDB];
	_ =	sdelay $0x1  }
0x9a: {  	s5 =	simm.s32 $_scs_section_size  }
0x9b: {  	s6 =	simm.s32 $_size__tile_overlayer_lowered;
	s7 =	simm.s32 $_tile_overlayer_lowered  }
0x9c: {  	s22 =	simm.s32 $0x1BFF;
	s21 =	sshll.u32 s7, $0x1;
	s4 =	sadd.s32 s5, s19  }
0x9d: {  	s8 =	simm.s32 $0x0;
	s20 =	sshll.u32 s6, $0x1;
	s6 =	sadd.s32 s21, s4  }
0x9e: {  	[timem:s8], [sflag:s22] =	dma.local [hbm:s6], s20  }
0x9f: {  	_ =	swait.ge [sflag:s22], s20  }
0xa0: {  	s5 =	ssub.s32 $0x0, s20;
	[sflag:s22] =	ssyncset.done $0x0  }
0xa1: {  	[sflag:s22] =	ssyncadd.s32 s5;
	_ =	sdelay $0x1  }
0xa2: {  	s23 =	simm.s32 $0x1B8B  }
0xa3: {  	_ =	swait.ge [sflag:s23], $0x1  }
0xa4: {  	[sflag:s23] =	ssyncset.done $0x0  }
0xa5: {  	s25 =	simm.s32 $0x1B8E;
	s24 =	sld [smem:$0x3FFE];
	[sflag:s23] =	ssyncadd.s32 $0xFFFFFFFF  }
0xa6: {  	s26 =	simm.s32 $execute0_lowered;
	[smem:$0x3FD2] =	sst s25  }
0xa7: {  	s6 =	sshll.u32 s26, $0x1;
	_ =	strace $0x80000046;
	[dreg:$0x1] =	wrdreg $0xFFFFFFFF  }
0xa8: {  	s28 =	simm.s32 $_size_execute0_lowered;
	s4 =	sadd.s32 s4, s6;
	[dreg:$0x0] =	wrdreg $0x0  }
0xa9: {  	s6 =	sshll.u32 s28, $0x1;
	[dreg:$0x2] =	wrdreg s4  }
0xaa: {  	[dreg:$0x3] =	wrdreg s6  }
0xab: {  	[dreg:$0x4] =	wrdreg $0xC0  }
0xac: {  	_ =	task [dreg:s8], $0x5FFFF  }
0xad: {  	[dreg:$0x1] =	wrdreg $0xFFFFFFFF  }
0xae: {  	[dreg:$0x0] =	wrdreg $0x60  }
0xaf: {  	[dreg:$0x2] =	wrdreg s24  }
0xb0: {  	[dreg:$0x3] =	wrdreg s2  }
0xb1: {  	[dreg:$0x4] =	wrdreg s18  }
0xb2: {  	[dreg:$0x5] =	wrdreg $0x9  }
0xb3: {  	_ =	task.clear_ibuf [dreg:s8], $0x6FFFF;
	_ =	strace $0x90000046  }
0xb4: {  	s29 =	simm.s32 $0x9;
	_ =	strace $0x80000048  }
0xb5: {  	_ =	swait.ge [sflag:s29], $0x1  }
0xb6: {  	[sflag:s29] =	ssyncadd.s32 $0xFFFFFFFF  }
0xb7: {  	_ =	strace $0x90000048  }
0xb8: {  	_ =	sfence  }
0xb9: {  	s30 =	sld [smem:$0x0];
	_ =	sdelay $0x2  }
0xba: {  	s31 =	sshll.u32 s1, $0xD;
	s1 =	sshrl.u32 s1, $0x2  }
0xbb: {  	s3 =	sand.u32 $0x4000, s31;
	s1 =	sadd.s32 s1, s30  }
0xbc: {  	s0 =	sor.u32 s3, s0;
	s1 =	sshll.u32 s1, $0x11  }
0xbd: {  	s0 =	sor.u32 s1, s0  }
0xbe: {  	s0 =	sadd.s32 $0x8F2B, s0  }
0xbf: {  	[sflag:s0] =	ssyncadd.remote.s32 $0x1  }
0xc0: {  	_ =	sfence.sel $0xFFFF  }
0xc1: {  	[dreg:$0x0] =	wrdreg $0xFFFFFFFF;
	(pc) =	sbr.abs _section_cstart, $3  }
0xc2: {  	[dreg:$0x1] =	wrdreg $0xFFFFFFFF  }
0xc3: {  	_ =	task.clear_ibuf [dreg:s8], $0x2FFFF;
	_ =	strace $0x9FFFFFFF  }
0xc4: {  	(tm) =	ssettm $0x7FFFFFFF  }
0xc5: {  	_ =	shalt  }
tec
execute0_lowered:
.L_overlay_start_1:
0x0: {  	(tag) =	ssettag $0x1  }
0x1: {  	s0 =	rddreg [dreg:$0x0]  }
0x2: {  	s1 =	srdreg.scid;
	s2 =	rddreg [dreg:$0x1]  }
0x3: {  	s5 =	rddreg [dreg:$0x2];
	s1 =	sand.u32 $0x1, s1  }
0x4: {  	s7 =	stileid.u32;
	s3 =	sshll.u32 s1, $0x4;
	s9 =	ssub.s32 $0x2, s1  }
0x5: {  	s22 =	sshll.u32 s1, $0xB;
	s6 =	sor.u32 s7, s3;
	s3 =	simm.s32 $0x0  }
0x6: {  	s7 =	sshll.u32 s7, $0x7;
	s10 =	sshrl.u32 s9, $0x1;
	s4 =	sshll.u32 s6, $0x7  }
0x7: {  	[smem:$0x7FF] =	sst s3;
	s8 =	sand.u32 $0x380, s7;
	s11 =	sshll.u32 s6, $0x4  }
0x8: {  	s6 =	smul.u32 $0x27800, s6;
	s31 =	ssub.s32 s9, s10;
	s7 =	sor.u32 s7, s22  }
0x9: {  	_ =	strace $0x80000047;
	s5 =	sadd.s32 s5, s11;
	[dreg:$0x15] =	wrdreg s7  }
0xa: {  	s4 =	sand.u32 $0xC00, s4;
	s9 =	smax.u32 s31, $0x1;
	[dreg:$0x4] =	wrdreg s5  }
0xb: {  	s28 =	sor.u32 $0x10, s7;
	s31 =	sor.u32 $0x20, s7;
	[dreg:$0x6] =	wrdreg s9  }
0xc: {  	s8 =	sor.u32 s8, s4;
	s4 =	sadd.s32 $0x400, s0;
	[dreg:$0x18] =	wrdreg s28  }
0xd: {  	[dreg:$0x19] =	wrdreg s31;
	s10 =	sadd.s32 s4, s6  }
0xe: {  	s11 =	sadd.s32 $0x2780, s10;
	[dreg:$0x7] =	wrdreg s10  }
0xf: {  	vm0 =	vcmask $0x300;
	v0 =	vimm.s32 $0xF80;
	s12 =	sadd.s32 $0x4F00, s10;
	[dreg:$0x8] =	wrdreg s11  }
0x10: {  	vm1 =	vcmask $0x704;
	v0 =	vsel vm0, $0x0, v0;
	s13 =	sadd.s32 $0x7680, s10;
	[dreg:$0x9] =	wrdreg s12  }
0x11: {  	vm2 =	vcmask $0xB08;
	v0 =	vsel vm1, $0x80, v0;
	s14 =	sadd.s32 $0x9E00, s10;
	[dreg:$0xa] =	wrdreg s13  }
0x12: {  	vm1 =	vcmask $0xF0C;
	v0 =	vsel vm2, $0x100, v0;
	s15 =	sadd.s32 $0xC580, s10;
	[dreg:$0xb] =	wrdreg s14  }
0x13: {  	vm4 =	vcmask $0x1310;
	v0 =	vsel vm1, $0x180, v0;
	s16 =	sadd.s32 $0xED00, s10;
	[dreg:$0xc] =	wrdreg s15  }
0x14: {  	vm5 =	vmmov vm1;
	vm1 =	vcmask $0x1714;
	v0 =	vsel vm4, $0x200, v0;
	s17 =	sadd.s32 $0x11480, s10;
	[dreg:$0xd] =	wrdreg s16  }
0x15: {  	vm6 =	vcmask $0x1B18;
	vm7 =	vcmask $0x1F1C;
	v1 =	vsel vm1, $0x280, v0;
	s18 =	sadd.s32 $0x13C00, s10;
	[dreg:$0xe] =	wrdreg s17  }
0x16: {  	v2 =	vimm.s32 $0xECA86420;
	vm8 =	vcmask $0x2320;
	v1 =	vsel vm6, $0x300, v1;
	s19 =	sadd.s32 $0x16380, s10;
	[dreg:$0xf] =	wrdreg s18  }
0x17: {  	vm9 =	vcmask $0x2724;
	vm10 =	vcmask $0x2B28;
	s20 =	sadd.s32 $0x18B00, s10;
	v1 =	vsel vm7, $0x380, v1;
	[dreg:$0x10] =	wrdreg s19  }
0x18: {  	vm11 =	vcmask $0x2F2C;
	vm12 =	vcmask $0x3330;
	s21 =	sadd.s32 $0x1B280, s10;
	[dreg:$0x11] =	wrdreg s20;
	v3 =	vsel vm8, $0xC00, v1  }
0x19: {  	s29 =	simm.s32 $0x80;
	vm13 =	vcmask $0x3B38;
	v2 =	vunpack.c.l.s4.s8 v2;
	s23 =	sadd.s32 $0x1DA00, s10;
	[dreg:$0x12] =	wrdreg s21;
	v3 =	vsel vm9, $0xC80, v3  }
0x1a: {  	vm14 =	vcmask $0x3734;
	vm15 =	vmmov $0xff;
	s30 =	simm.s32 $0x8080;
	s24 =	sadd.s32 $0x20180, s10;
	[dreg:$0x13] =	wrdreg s23;
	v3 =	vsel vm10, $0xD00, v3  }
0x1b: {  	v2 =	vunpack.c.0.s8.s32 v2;
	v0 =	vlaneseq.u32;
	s8 =	sshrl.u32 s8, $0x3;
	s25 =	sadd.s32 $0x22900, s10;
	[dreg:$0x14] =	wrdreg s24;
	v4 =	vsel vm11, $0xD80, v3  }
0x1c: {  	vm3 =	vmmov vm1;
	v5 =	vand.u32 $0x7, v0;
	s0 =	sadd.s32 s8, s0;
	s26 =	sadd.s32 $0x25080, s10;
	[dreg:$0x16] =	wrdreg s25;
	v4 =	vsel vm12, $0xE00, v4  }
0x1d: {  	s5 =	simm.s32 $0x4;
	v5 =	vmul.u32 $0x80, v5;
	s0 =	sadd.s32 $0x4F0400, s0;
	[dreg:$0x17] =	wrdreg s26;
	v1 =	vimm.f32 $0.0e+00;
	v6 =	vsel vm14, $0xE80, v4  }
0x1e: {  	s6 =	simm.s32 $0x0;
	[dreg:$0x5] =	wrdreg s0;
	s0 =	simm.s32 $0x9880;
	v3 =	vmul.u32 $0x2, v0;
	v4 =	vmul.u32 $0x100, v0;
	v6 =	vsel vm13, $0xF00, v6  }
.LBB2_1:
0x1f: {  	[dreg:$0x1a] =	wrdreg s6  }
0x20: {  	s1 =	rddreg [dreg:$0x4]  }
0x21: {  	[tilespmem:s3], [sflag:$0x4] =	stream.linear.gather [hbm4b:s1+s3], $0x80, $0x38;
	[tilespmem:$0xB100] =	vst v63  }
0x22: {  	_ =	swait.ge [sflag:s5], $0x80  }
0x23: {  	[sflag:s5] =	ssyncset.done $0x0  }
0x24: {  	s16 =	rddreg [dreg:$0x7];
	[sflag:s5] =	ssyncadd.s32 $0xFFFFFF80  }
0x25: {  	[tilespmem:s29], [sflag:$0x3] =	stream.linear.gather [hbm4b:s16+s3], $0x400, $0x38;
	[tilespmem:$0xB100] =	vst v63  }
0x26: {  	s18 =	simm.s32 $0x880;
	s17 =	rddreg [dreg:$0x8]  }
0x27: {  	[tilespmem:s18], [sflag:$0x3] =	stream.linear.gather [hbm4b:s17+s3], $0x400, $0x38;
	[tilespmem:$0xB100] =	vst v63  }
0x28: {  	s20 =	simm.s32 $0x1080;
	s19 =	rddreg [dreg:$0x9]  }
0x29: {  	[tilespmem:s20], [sflag:$0x3] =	stream.linear.gather [hbm4b:s19+s3], $0x400, $0x38;
	[tilespmem:$0xB100] =	vst v63  }
0x2a: {  	s22 =	simm.s32 $0x1880;
	s21 =	rddreg [dreg:$0xa]  }
0x2b: {  	[tilespmem:s22], [sflag:$0x3] =	stream.linear.gather [hbm4b:s21+s3], $0x400, $0x38;
	[tilespmem:$0xB100] =	vst v63  }
0x2c: {  	s24 =	simm.s32 $0x2080;
	s23 =	rddreg [dreg:$0xb]  }
0x2d: {  	[tilespmem:s24], [sflag:$0x3] =	stream.linear.gather [hbm4b:s23+s3], $0x400, $0x38;
	[tilespmem:$0xB100] =	vst v63  }
0x2e: {  	s26 =	simm.s32 $0x2880;
	s25 =	rddreg [dreg:$0xc]  }
0x2f: {  	[tilespmem:s26], [sflag:$0x3] =	stream.linear.gather [hbm4b:s25+s3], $0x400, $0x38;
	[tilespmem:$0xB100] =	vst v63  }
0x30: {  	s31 =	simm.s32 $0x3080;
	s28 =	rddreg [dreg:$0xd]  }
0x31: {  	[tilespmem:s31], [sflag:$0x3] =	stream.linear.gather [hbm4b:s28+s3], $0x400, $0x38;
	[tilespmem:$0xB100] =	vst v63  }
0x32: {  	s6 =	simm.s32 $0x3880;
	s5 =	rddreg [dreg:$0xe]  }
0x33: {  	[tilespmem:s6], [sflag:$0x3] =	stream.linear.gather [hbm4b:s5+s3], $0x400, $0x38;
	[tilespmem:$0xB100] =	vst v63  }
0x34: {  	s9 =	simm.s32 $0x4080;
	s8 =	rddreg [dreg:$0xf]  }
0x35: {  	[tilespmem:s9], [sflag:$0x3] =	stream.linear.gather [hbm4b:s8+s3], $0x400, $0x38;
	[tilespmem:$0xB100] =	vst v63  }
0x36: {  	s11 =	simm.s32 $0x4880;
	s10 =	rddreg [dreg:$0x10]  }
0x37: {  	[tilespmem:s11], [sflag:$0x3] =	stream.linear.gather [hbm4b:s10+s3], $0x400, $0x38;
	[tilespmem:$0xB100] =	vst v63  }
0x38: {  	s13 =	simm.s32 $0x5080;
	s12 =	rddreg [dreg:$0x11]  }
0x39: {  	[tilespmem:s13], [sflag:$0x3] =	stream.linear.gather [hbm4b:s12+s3], $0x400, $0x38;
	[tilespmem:$0xB100] =	vst v63  }
0x3a: {  	s15 =	simm.s32 $0x5880;
	s14 =	rddreg [dreg:$0x12]  }
0x3b: {  	[tilespmem:s15], [sflag:$0x3] =	stream.linear.gather [hbm4b:s14+s3], $0x400, $0x38;
	[tilespmem:$0xB100] =	vst v63  }
0x3c: {  	s16 =	rddreg [dreg:$0x13];
	s17 =	simm.s32 $0x6080  }
0x3d: {  	[tilespmem:s17], [sflag:$0x3] =	stream.linear.gather [hbm4b:s16+s3], $0x400, $0x38;
	[tilespmem:$0xB100] =	vst v63  }
0x3e: {  	s18 =	rddreg [dreg:$0x14];
	s19 =	simm.s32 $0x6880  }
0x3f: {  	[tilespmem:s19], [sflag:$0x3] =	stream.linear.gather [hbm4b:s18+s3], $0x400, $0x38;
	[tilespmem:$0xB100] =	vst v63  }
0x40: {  	s20 =	rddreg [dreg:$0x16];
	s21 =	simm.s32 $0x7080  }
0x41: {  	[tilespmem:s21], [sflag:$0x3] =	stream.linear.gather [hbm4b:s20+s3], $0x400, $0x38;
	[tilespmem:$0xB100] =	vst v63  }
0x42: {  	s22 =	rddreg [dreg:$0x17];
	s23 =	simm.s32 $0x7880  }
0x43: {  	[tilespmem:s23], [sflag:$0x3] =	stream.linear.gather [hbm4b:s22+s3], $0x400, $0x38;
	[tilespmem:$0xB100] =	vst v63  }
0x44: {  	v7 =	vld [tilespmem:$0x0];
	_ =	sdelay $0x3  }
0x45: {  	v8 =	vmov s3  }
0x46: {  	vm1 =	veq.s32 v8, v0;
	v7 =	vxor.u32 $0x80000000, v7  }
0x47: {  	v8 =	vnsel vm1, $0x7FFFFFFF, v7  }
0x48: {  	(xrf0) =	vmax.scan.msk.u32 $0xffff, v8;
	_ =	sdelay $0x5  }
0x49: {  	v8, _, _ =	vpop (xrf0)  }
0x4a: {  	(v2sf) =	vpush v8, $0xF;
	_ =	sdelay $0xe  }
0x4b: {  	s24 =	spop (v2sf)  }
0x4c: {  	s10 =	simm.s32 $0x1;
	s6 =	sxor.u32 $0x80000000, s24  }
0x4d: {  	v8 =	vmov s10;
	s11 =	smulhi.u32 $0x51EB851F, s6;
	s6 =	sshra.s32 s6, $0x1F  }
0x4e: {  	vm1 =	veq.s32 v8, v0;
	s6 =	smul.u32 $0x51EB851F, s6  }
0x4f: {  	v8 =	vnsel vm1, $0x7FFFFFFF, v7  }
0x50: {  	(xrf0) =	vmax.scan.msk.u32 $0xffff, v8;
	s6 =	sadd.s32 s6, s11  }
0x51: {  	s11 =	sshrl.u32 s6, $0x1F;
	s6 =	sshra.s32 s6, $0x5  }
0x52: {  	s6 =	sadd.s32 s11, s6  }
0x53: {  	s11 =	smul.u32 $0x64, s6;
	_ =	sdelay $0x1  }
0x54: {  	s6 =	sshra.s32 s11, $0x1F  }
0x55: {  	v8, _, _ =	vpop (xrf0);
	s6 =	sshrl.u32 s6, $0x19  }
0x56: {  	(v2sf) =	vpush v8, $0xF;
	s6 =	sadd.s32 s6, s11  }
0x57: {  	s12 =	sadd.s32 $0x0, s7;
	s13 =	sshra.s32 s6, $0x7  }
0x58: {  	s12 =	sshrl.u32 s12, $0x3;
	p0 =	slt.s32 s13, $0x4D;
	s6 =	smov.u32 s13  }
0x59: {  	s15 =	smul.u32 $0x13C00, s12;
	s6 =	simm.s32 @!p0 $0x4D  }
0x5a: {  	s6 =	sshll.u32 s6, $0xA  }
0x5b: {  	s16 =	sand.u32 $0x380, s3;
	s6 =	sadd.s32 s15, s6  }
0x5c: {  	s17 =	sor.u32 s16, s6;
	s6 =	simm.s32 $0x2  }
0x5d: {  	v8 =	vmov s6  }
0x5e: {  	vm1 =	veq.s32 v8, v0  }
0x5f: {  	s14 =	simm.s32 $0x0;
	v8 =	vnsel vm1, $0x7FFFFFFF, v7  }
0x60: {  	s14 =	smul.u32 $0x3000, s14;
	(xrf0) =	vmax.scan.msk.u32 $0xffff, v8;
	_ =	sdelay $0x1  }
0x61: {  	s14 =	sshra.s32 s14, $0x2  }
0x62: {  	s18 =	sor.u32 s16, s14  }
0x63: {  	s18 =	sadd.s32 $0x8080, s18  }
0x64: {  	s25 =	spop (v2sf);
	p0 =	sgt.s32 s11, $0x267F;
	s17 =	sshrl.u32 s17, $0x3  }
0x65: {  	s11 =	simm.s32 $0x0;
	s13 =	sshll.u32 @!p0 s13, $0xA;
	s17 =	sadd.s32 s4, s17;
	v8, _, _ =	vpop (xrf0)  }
0x66: {  	[tilespmem:s18], [sflag:$0x1] =	stream.linear.gather [hbm4b:s17+s3], $0x80, $0x38;
	(v2sf) =	vpush v8, $0xF;
	[tilespmem:$0xB100] =	vst v63  }
0x67: {  	s12 =	sshll.u32 @p0 s12, $0xA;
	s15 =	sadd.s32 @!p0 s16, s15;
	s17 =	sxor.u32 $0x80000000, s25  }
0x68: {  	s13 =	sadd.s32 @!p0 s13, s15;
	s26 =	smulhi.u32 $0x51EB851F, s17;
	s17 =	sshra.s32 s17, $0x1F  }
0x69: {  	s12 =	sor.u32 @p0 s16, s12;
	s28 =	smul.u32 $0x51EB851F, s17;
	s17 =	sadd.s32 @!p0 $0x400, s13  }
0x6a: {  	s16 =	sadd.s32 s16, s14;
	s14 =	smov.u32 s4;
	s17 =	smov.u32 @p0 s12  }
0x6b: {  	s14 =	smov.u32 @p0 s2;
	s15 =	sadd.s32 $0x8480, s16;
	s31 =	sshrl.u32 s17, $0x3  }
0x6c: {  	s12 =	simm.s32 $0x3;
	s13 =	sadd.s32 s28, s26;
	s14 =	sadd.s32 s14, s31  }
.LBB2_2:
0x6d: {  	[tilespmem:s15], [sflag:$0x1] =	stream.linear.gather [hbm4b:s14+s3], $0x80, $0x38;
	[tilespmem:$0xB100] =	vst v63  }
0x6e: {  	v8 =	vmov s12;
	s14 =	smov.u32 s6;
	s6 =	smov.u32 s12  }
0x6f: {  	s15 =	sshrl.u32 s13, $0x1F;
	s13 =	sshra.s32 s13, $0x5;
	s16 =	sshrl.u32 s10, $0x3;
	vm1 =	veq.s32 v8, v0  }
0x70: {  	s10 =	sadd.s32 s10, s7;
	s13 =	sadd.s32 s15, s13;
	s15 =	smul.u32 $0x3000, s16;
	v8 =	vnsel vm1, $0x7FFFFFFF, v7  }
0x71: {  	s11 =	sadd.s32 $0x80, s11;
	s12 =	sadd.s32 $0x1, s12;
	s13 =	smul.u32 $0x64, s13;
	(xrf0) =	vmax.scan.msk.u32 $0xffff, v8  }
0x72: {  	s16 =	sand.u32 $0x380, s11;
	s17 =	sshrl.u32 s10, $0x3;
	s10 =	smov.u32 s14  }
0x73: {  	s18 =	smul.u32 $0x13C00, s17;
	s15 =	sshra.s32 s15, $0x2;
	s14 =	sshra.s32 s13, $0x1F  }
0x74: {  	p0 =	sne.s32 s12, $0x10;
	s19 =	sadd.s32 s16, s15;
	s14 =	sshrl.u32 s14, $0x19  }
0x75: {  	s15 =	sor.u32 s16, s15;
	s14 =	sadd.s32 s14, s13;
	s20 =	spop (v2sf)  }
0x76: {  	s15 =	sadd.s32 $0x8080, s15;
	s14 =	sshra.s32 s14, $0x7;
	s20 =	sxor.u32 $0x80000000, s20  }
0x77: {  	p1 =	slt.s32 s14, $0x4D;
	s23 =	smov.u32 s14;
	s21 =	smulhi.u32 $0x51EB851F, s20  }
0x78: {  	v8, _, _ =	vpop (xrf0);
	s20 =	sshra.s32 s20, $0x1F;
	s23 =	simm.s32 @!p1 $0x4D;
	p1 =	sgt.s32 s13, $0x267F  }
0x79: {  	(v2sf) =	vpush v8, $0xF;
	s13 =	sshll.u32 s23, $0xA;
	s14 =	sshll.u32 @!p1 s14, $0xA;
	s23 =	sadd.s32 @!p1 s16, s18  }
0x7a: {  	s17 =	sshll.u32 @p1 s17, $0xA;
	s13 =	sadd.s32 s18, s13;
	s14 =	sadd.s32 @!p1 s14, s23  }
0x7b: {  	s13 =	sor.u32 s16, s13;
	s16 =	sor.u32 @p1 s16, s17;
	s17 =	smul.u32 $0x51EB851F, s20  }
.Ltmp0:
0x7c: {  	s14 =	sadd.s32 @!p1 $0x400, s14;
	(pc) =	sbr.rel @p0 .LBB2_2-.Ltmp0, $4  }
0x7d: {  	s13 =	sshrl.u32 s13, $0x3;
	s14 =	smov.u32 @p1 s16;
	s16 =	smov.u32 s4  }
0x7e: {  	s13 =	sadd.s32 s4, s13;
	s16 =	smov.u32 @p1 s2;
	s14 =	sshrl.u32 s14, $0x3  }
0x7f: {  	[tilespmem:s15], [sflag:$0x1] =	stream.linear.gather [hbm4b:s13+s3], $0x80, $0x38;
	[tilespmem:$0xB100] =	vst v63  }
0x80: {  	s14 =	sadd.s32 s16, s14;
	s13 =	sadd.s32 s17, s21;
	s15 =	sadd.s32 $0x8480, s19  }
0x81: {  	s12 =	sshrl.u32 s13, $0x1F;
	s31 =	sshra.s32 s13, $0x5  }
0x82: {  	[tilespmem:s15], [sflag:$0x1] =	stream.linear.gather [hbm4b:s14+s3], $0x80, $0x38;
	[tilespmem:$0xB100] =	vst v63  }
0x83: {  	s12 =	sadd.s32 s12, s31  }
0x84: {  	s12 =	smul.u32 $0x64, s12  }
0x85: {  	s1 =	sshrl.u32 s10, $0x3;
	s8 =	sadd.s32 s10, s7  }
0x86: {  	s11 =	sadd.s32 $0x80, s11;
	s13 =	smul.u32 $0x3000, s1;
	s5 =	sshra.s32 s12, $0x1F  }
0x87: {  	s22 =	sshrl.u32 s6, $0x3;
	s10 =	sshrl.u32 s8, $0x3;
	s14 =	sshrl.u32 s5, $0x19  }
0x88: {  	s15 =	sand.u32 $0x380, s11;
	s13 =	sshra.s32 s13, $0x2;
	s14 =	sadd.s32 s14, s12  }
0x89: {  	s16 =	smul.u32 $0x13C00, s10;
	s19 =	sadd.s32 s15, s13;
	s14 =	sshra.s32 s14, $0x7  }
0x8a: {  	s17 =	spop (v2sf);
	p0 =	slt.s32 s14, $0x4D;
	s18 =	smov.u32 s14  }
0x8b: {  	s13 =	sor.u32 s15, s13;
	s17 =	sxor.u32 $0x80000000, s17;
	s18 =	simm.s32 @!p0 $0x4D  }
0x8c: {  	s13 =	sadd.s32 $0x8080, s13;
	s20 =	smulhi.u32 $0x51EB851F, s17;
	s18 =	sshll.u32 s18, $0xA  }
0x8d: {  	p0 =	sgt.s32 s12, $0x267F;
	s17 =	sshra.s32 s17, $0x1F;
	s9 =	sadd.s32 s16, s18  }
0x8e: {  	s14 =	sshll.u32 @!p0 s14, $0xA;
	s17 =	smul.u32 $0x51EB851F, s17;
	s12 =	sor.u32 s15, s9  }
0x8f: {  	s10 =	sshll.u32 @p0 s10, $0xA;
	s16 =	sadd.s32 @!p0 s15, s16;
	s12 =	sshrl.u32 s12, $0x3  }
0x90: {  	s14 =	sadd.s32 @!p0 s14, s16;
	s18 =	sadd.s32 s17, s20;
	s12 =	sadd.s32 s4, s12  }
0x91: {  	[tilespmem:s13], [sflag:$0x1] =	stream.linear.gather [hbm4b:s12+s3], $0x80, $0x38;
	[tilespmem:$0xB100] =	vst v63  }
0x92: {  	s10 =	sor.u32 @p0 s15, s10;
	s20 =	sshrl.u32 s18, $0x1F;
	s12 =	sadd.s32 @!p0 $0x400, s14  }
0x93: {  	s13 =	sshra.s32 s18, $0x5;
	s12 =	smov.u32 @p0 s10;
	s10 =	smov.u32 s4  }
0x94: {  	s13 =	sadd.s32 s20, s13;
	s10 =	smov.u32 @p0 s2;
	s12 =	sshrl.u32 s12, $0x3  }
0x95: {  	s21 =	sadd.s32 $0x8480, s19;
	s13 =	smul.u32 $0x64, s13;
	s10 =	sadd.s32 s10, s12  }
0x96: {  	[tilespmem:s21], [sflag:$0x1] =	stream.linear.gather [hbm4b:s10+s3], $0x80, $0x38;
	[tilespmem:$0xB100] =	vst v63  }
0x97: {  	s24 =	sadd.s32 s6, s7;
	s23 =	sshra.s32 s13, $0x1F;
	s10 =	smul.u32 $0x3000, s22  }
0x98: {  	s11 =	sadd.s32 $0x80, s11;
	s6 =	sshrl.u32 s24, $0x3;
	s12 =	sshrl.u32 s23, $0x19  }
0x99: {  	s11 =	sand.u32 $0x380, s11;
	s12 =	sadd.s32 s12, s13;
	s10 =	sshra.s32 s10, $0x2  }
0x9a: {  	s14 =	smul.u32 $0x13C00, s6;
	s12 =	sshra.s32 s12, $0x7;
	s25 =	sadd.s32 s11, s10  }
0x9b: {  	s10 =	sor.u32 s11, s10;
	p0 =	slt.s32 s12, $0x4D;
	s16 =	smov.u32 s12  }
0x9c: {  	s10 =	sadd.s32 $0x8080, s10;
	s16 =	simm.s32 @!p0 $0x4D;
	p0 =	sgt.s32 s13, $0x267F  }
0x9d: {  	s26 =	sshll.u32 s16, $0xA;
	s12 =	sshll.u32 @!p0 s12, $0xA;
	s16 =	sadd.s32 @!p0 s11, s14  }
0x9e: {  	s6 =	sshll.u32 @p0 s6, $0xA;
	s13 =	sadd.s32 s14, s26;
	s12 =	sadd.s32 @!p0 s12, s16  }
0x9f: {  	s6 =	sor.u32 @p0 s11, s6;
	s13 =	sor.u32 s11, s13;
	s11 =	sadd.s32 @!p0 $0x400, s12  }
0xa0: {  	s28 =	sshrl.u32 s13, $0x3;
	s11 =	smov.u32 @p0 s6;
	s6 =	smov.u32 s4  }
0xa1: {  	s12 =	sadd.s32 s4, s28;
	s6 =	smov.u32 @p0 s2;
	s11 =	sshrl.u32 s11, $0x3  }
0xa2: {  	[tilespmem:s10], [sflag:$0x1] =	stream.linear.gather [hbm4b:s12+s3], $0x80, $0x38;
	[tilespmem:$0xB100] =	vst v63  }
0xa3: {  	s1 =	simm.s32 $0x3;
	s31 =	sadd.s32 $0x8480, s25;
	s6 =	sadd.s32 s6, s11  }
0xa4: {  	[tilespmem:s31], [sflag:$0x1] =	stream.linear.gather [hbm4b:s6+s3], $0x80, $0x38;
	[tilespmem:$0xB100] =	vst v63  }
0xa5: {  	_ =	swait.ge [sflag:s1], $0x400  }
0xa6: {  	[sflag:s1] =	ssyncset.done $0x0  }
0xa7: {  	[sflag:s1] =	ssyncadd.s32 $0xFFFFFC00  }
0xa8: {  	_ =	swait.ge [sflag:s1], $0x400  }
0xa9: {  	[sflag:s1] =	ssyncset.done $0x0  }
0xaa: {  	[sflag:s1] =	ssyncadd.s32 $0xFFFFFC00  }
0xab: {  	_ =	swait.ge [sflag:s1], $0x400  }
0xac: {  	[sflag:s1] =	ssyncset.done $0x0  }
0xad: {  	[sflag:s1] =	ssyncadd.s32 $0xFFFFFC00  }
0xae: {  	_ =	swait.ge [sflag:s1], $0x400  }
0xaf: {  	[sflag:s1] =	ssyncset.done $0x0  }
0xb0: {  	[sflag:s1] =	ssyncadd.s32 $0xFFFFFC00  }
0xb1: {  	_ =	swait.ge [sflag:s1], $0x400  }
0xb2: {  	[sflag:s1] =	ssyncset.done $0x0  }
0xb3: {  	[sflag:s1] =	ssyncadd.s32 $0xFFFFFC00  }
0xb4: {  	_ =	swait.ge [sflag:s1], $0x400  }
0xb5: {  	[sflag:s1] =	ssyncset.done $0x0  }
0xb6: {  	[sflag:s1] =	ssyncadd.s32 $0xFFFFFC00  }
0xb7: {  	_ =	swait.ge [sflag:s1], $0x400  }
0xb8: {  	[sflag:s1] =	ssyncset.done $0x0  }
0xb9: {  	[sflag:s1] =	ssyncadd.s32 $0xFFFFFC00  }
0xba: {  	_ =	swait.ge [sflag:s1], $0x400  }
0xbb: {  	[sflag:s1] =	ssyncset.done $0x0  }
0xbc: {  	[sflag:s1] =	ssyncadd.s32 $0xFFFFFC00  }
0xbd: {  	_ =	swait.ge [sflag:s1], $0x400  }
0xbe: {  	[sflag:s1] =	ssyncset.done $0x0  }
0xbf: {  	[sflag:s1] =	ssyncadd.s32 $0xFFFFFC00  }
0xc0: {  	_ =	swait.ge [sflag:s1], $0x400  }
0xc1: {  	[sflag:s1] =	ssyncset.done $0x0  }
0xc2: {  	[sflag:s1] =	ssyncadd.s32 $0xFFFFFC00  }
0xc3: {  	_ =	swait.ge [sflag:s1], $0x400  }
0xc4: {  	[sflag:s1] =	ssyncset.done $0x0  }
0xc5: {  	[sflag:s1] =	ssyncadd.s32 $0xFFFFFC00  }
0xc6: {  	_ =	swait.ge [sflag:s1], $0x400  }
0xc7: {  	[sflag:s1] =	ssyncset.done $0x0  }
0xc8: {  	[sflag:s1] =	ssyncadd.s32 $0xFFFFFC00  }
0xc9: {  	_ =	swait.ge [sflag:s1], $0x400  }
0xca: {  	[sflag:s1] =	ssyncset.done $0x0  }
0xcb: {  	[sflag:s1] =	ssyncadd.s32 $0xFFFFFC00  }
0xcc: {  	_ =	swait.ge [sflag:s1], $0x400  }
0xcd: {  	[sflag:s1] =	ssyncset.done $0x0  }
0xce: {  	[sflag:s1] =	ssyncadd.s32 $0xFFFFFC00  }
0xcf: {  	_ =	swait.ge [sflag:s1], $0x400  }
0xd0: {  	[sflag:s1] =	ssyncset.done $0x0  }
0xd1: {  	[sflag:s1] =	ssyncadd.s32 $0xFFFFFC00  }
0xd2: {  	_ =	swait.ge [sflag:s1], $0x400  }
0xd3: {  	[sflag:s1] =	ssyncset.done $0x0  }
0xd4: {  	s26 =	rddreg [dreg:$0x19];
	[sflag:s1] =	ssyncadd.s32 $0xFFFFFC00  }
0xd5: {  	s25 =	rddreg [dreg:$0x18];
	s1 =	simm.s32 $0x0;
	[tilespmem:$0xB080] =	vst v1  }
.LBB2_4:
0xd6: {  	s10 =	sshll.u32 s1, $0x5  }
0xd7: {  	v7 =	vld [tilespmem:s10+$0x10];
	_ =	sdelay $0x2  }
0xd8: {  	s24 =	simm.s32 $0x0  }
0xd9: {  	v8 =	vmov s24  }
0xda: {  	vm1 =	veq.s32 v8, v0;
	v7 =	vxor.u32 $0x80000000, v7  }
0xdb: {  	v8 =	vnsel vm1, $0x7FFFFFFF, v7  }
0xdc: {  	(xrf0) =	vmax.scan.msk.u32 $0xffff, v8;
	_ =	sdelay $0x5  }
0xdd: {  	v8, _, _ =	vpop (xrf0)  }
0xde: {  	(v2sf) =	vpush v8, $0xF;
	_ =	sdelay $0x3  }
0xdf: {  	s14 =	simm.s32 $0x1  }
0xe0: {  	v8 =	vmov s14  }
0xe1: {  	vm1 =	veq.s32 v8, v0  }
0xe2: {  	v8 =	vnsel vm1, $0x7FFFFFFF, v7  }
0xe3: {  	(xrf0) =	vmax.scan.msk.u32 $0xffff, v8;
	_ =	sdelay $0x5  }
0xe4: {  	v8, _, _ =	vpop (xrf0)  }
0xe5: {  	(v2sf) =	vpush v8, $0xF;
	s11 =	spop (v2sf)  }
0xe6: {  	s11 =	sxor.u32 $0x80000000, s11  }
0xe7: {  	s13 =	smulhi.u32 $0x51EB851F, s11;
	s11 =	sshra.s32 s11, $0x1F  }
0xe8: {  	s11 =	smul.u32 $0x51EB851F, s11;
	_ =	sdelay $0x1  }
0xe9: {  	s11 =	sadd.s32 s11, s13  }
0xea: {  	s13 =	sshrl.u32 s11, $0x1F;
	s11 =	sshra.s32 s11, $0x5  }
0xeb: {  	s13 =	sadd.s32 s13, s11  }
0xec: {  	s16 =	smul.u32 $0x64, s13;
	s13 =	simm.s32 $0x2  }
0xed: {  	[dreg:$0x1b] =	wrdreg s1;
	v8 =	vmov s13  }
0xee: {  	s15 =	simm.s32 $0x0;
	s17 =	sadd.s32 $0x0, s25;
	s5 =	sor.u32 $0x10, s10;
	vm1 =	veq.s32 v8, v0  }
0xef: {  	s15 =	smul.u32 $0x3000, s15;
	s17 =	sshrl.u32 s17, $0x3;
	s19 =	sand.u32 $0x380, s24;
	v8 =	vnsel vm1, $0x7FFFFFFF, v7  }
0xf0: {  	[dreg:$0x1c] =	wrdreg s5;
	s20 =	smul.u32 $0x13C00, s17;
	s18 =	sshra.s32 s16, $0x1F;
	(xrf0) =	vmax.scan.msk.u32 $0xffff, v8  }
0xf1: {  	s21 =	sshra.s32 s15, $0x2;
	s15 =	simm.s32 $0x3;
	s18 =	sshrl.u32 s18, $0x19  }
0xf2: {  	s23 =	sadd.s32 s19, s21;
	s21 =	sor.u32 s19, s21;
	s18 =	sadd.s32 s18, s16  }
0xf3: {  	s21 =	sadd.s32 $0x9880, s21;
	s24 =	spop (v2sf);
	s9 =	sshra.s32 s18, $0x7  }
0xf4: {  	s24 =	sxor.u32 $0x80000000, s24;
	p0 =	slt.s32 s9, $0x4D;
	s18 =	smov.u32 s9  }
0xf5: {  	s7 =	smulhi.u32 $0x51EB851F, s24;
	s24 =	sshra.s32 s24, $0x1F;
	s18 =	simm.s32 @!p0 $0x4D  }
0xf6: {  	s31 =	smul.u32 $0x51EB851F, s24;
	p0 =	sgt.s32 s16, $0x267F;
	s28 =	sshll.u32 s18, $0xA;
	v8, _, _ =	vpop (xrf0)  }
0xf7: {  	s9 =	sshll.u32 @!p0 s9, $0xA;
	s18 =	sadd.s32 @!p0 s19, s20;
	s17 =	sshll.u32 @p0 s17, $0xA;
	(v2sf) =	vpush v8, $0xF  }
0xf8: {  	s16 =	sadd.s32 s20, s28;
	s9 =	sadd.s32 @!p0 s9, s18;
	s17 =	sor.u32 @p0 s19, s17  }
0xf9: {  	s16 =	sor.u32 s19, s16;
	s9 =	sadd.s32 @!p0 $0x400, s9;
	s19 =	smov.u32 s4  }
0xfa: {  	s16 =	sshrl.u32 s16, $0x3;
	s9 =	smov.u32 @p0 s17;
	s19 =	smov.u32 @p0 s2  }
0xfb: {  	s17 =	sadd.s32 s31, s7;
	s16 =	sadd.s32 s4, s16;
	s9 =	sshrl.u32 s9, $0x3  }
0xfc: {  	[tilespmem:s21], [sflag:$0x2] =	stream.linear.gather [hbm4b:s16+s3], $0x80, $0x38;
	[tilespmem:$0xB100] =	vst v63  }
0xfd: {  	s18 =	sadd.s32 s19, s9;
	s19 =	sadd.s32 $0x9C80, s23;
	s16 =	simm.s32 $0x0  }
.LBB2_5:
0xfe: {  	[tilespmem:s19], [sflag:$0x2] =	stream.linear.gather [hbm4b:s18+s3], $0x80, $0x38;
	[tilespmem:$0xB100] =	vst v63  }
0xff: {  	v8 =	vmov s15;
	s7 =	smov.u32 s13;
	s13 =	smov.u32 s15  }
0x100: {  	s9 =	sshrl.u32 s17, $0x1F;
	s17 =	sshra.s32 s17, $0x5;
	s18 =	sshrl.u32 s14, $0x3;
	vm1 =	veq.s32 v8, v0  }
0x101: {  	s14 =	sadd.s32 s14, s25;
	s9 =	sadd.s32 s9, s17;
	s17 =	smul.u32 $0x3000, s18;
	v8 =	vnsel vm1, $0x7FFFFFFF, v7  }
0x102: {  	s16 =	sadd.s32 $0x80, s16;
	s15 =	sadd.s32 $0x1, s15;
	s9 =	smul.u32 $0x64, s9;
	(xrf0) =	vmax.scan.msk.u32 $0xffff, v8  }
0x103: {  	s18 =	sand.u32 $0x380, s16;
	s19 =	sshrl.u32 s14, $0x3;
	s14 =	smov.u32 s7  }
0x104: {  	s20 =	smul.u32 $0x13C00, s19;
	s17 =	sshra.s32 s17, $0x2;
	s7 =	sshra.s32 s9, $0x1F  }
0x105: {  	p0 =	sne.s32 s15, $0x10;
	s21 =	sadd.s32 s18, s17;
	s7 =	sshrl.u32 s7, $0x19  }
0x106: {  	s17 =	sor.u32 s18, s17;
	s7 =	sadd.s32 s7, s9;
	s23 =	spop (v2sf)  }
0x107: {  	s17 =	sadd.s32 $0x9880, s17;
	s8 =	sshra.s32 s7, $0x7;
	s23 =	sxor.u32 $0x80000000, s23  }
0x108: {  	p1 =	slt.s32 s8, $0x4D;
	s7 =	smov.u32 s8;
	s24 =	smulhi.u32 $0x51EB851F, s23  }
0x109: {  	v8, _, _ =	vpop (xrf0);
	s23 =	sshra.s32 s23, $0x1F;
	s7 =	simm.s32 @!p1 $0x4D;
	p1 =	sgt.s32 s9, $0x267F  }
0x10a: {  	(v2sf) =	vpush v8, $0xF;
	s7 =	sshll.u32 s7, $0xA;
	s8 =	sshll.u32 @!p1 s8, $0xA;
	s9 =	sadd.s32 @!p1 s18, s20  }
0x10b: {  	s19 =	sshll.u32 @p1 s19, $0xA;
	s7 =	sadd.s32 s20, s7;
	s8 =	sadd.s32 @!p1 s8, s9  }
0x10c: {  	s9 =	sor.u32 @p1 s18, s19;
	s7 =	sor.u32 s18, s7;
	s18 =	smul.u32 $0x51EB851F, s23  }
.Ltmp1:
0x10d: {  	s8 =	sadd.s32 @!p1 $0x400, s8;
	(pc) =	sbr.rel @p0 .LBB2_5-.Ltmp1, $4  }
0x10e: {  	s7 =	sshrl.u32 s7, $0x3;
	s8 =	smov.u32 @p1 s9;
	s9 =	smov.u32 s4  }
0x10f: {  	s7 =	sadd.s32 s4, s7;
	s9 =	smov.u32 @p1 s2;
	s8 =	sshrl.u32 s8, $0x3  }
0x110: {  	[tilespmem:s17], [sflag:$0x2] =	stream.linear.gather [hbm4b:s7+s3], $0x80, $0x38;
	[tilespmem:$0xB100] =	vst v63  }
0x111: {  	s19 =	sadd.s32 $0x9C80, s21;
	s17 =	sadd.s32 s18, s24;
	s18 =	sadd.s32 s9, s8  }
0x112: {  	s7 =	sshrl.u32 s17, $0x1F;
	s8 =	sshra.s32 s17, $0x5  }
0x113: {  	[tilespmem:s19], [sflag:$0x2] =	stream.linear.gather [hbm4b:s18+s3], $0x80, $0x38;
	[tilespmem:$0xB100] =	vst v63  }
0x114: {  	s7 =	sadd.s32 s7, s8  }
0x115: {  	s7 =	smul.u32 $0x64, s7  }
0x116: {  	s5 =	sshrl.u32 s14, $0x3;
	s6 =	sadd.s32 s14, s25  }
0x117: {  	s15 =	sadd.s32 $0x80, s16;
	s8 =	smul.u32 $0x3000, s5;
	s9 =	sshra.s32 s7, $0x1F  }
0x118: {  	s28 =	sshrl.u32 s13, $0x3;
	s14 =	sshrl.u32 s6, $0x3;
	s9 =	sshrl.u32 s9, $0x19  }
0x119: {  	s16 =	sand.u32 $0x380, s15;
	s8 =	sshra.s32 s8, $0x2;
	s9 =	sadd.s32 s9, s7  }
0x11a: {  	s17 =	smul.u32 $0x13C00, s14;
	s20 =	sadd.s32 s16, s8;
	s9 =	sshra.s32 s9, $0x7  }
0x11b: {  	s11 =	spop (v2sf);
	p0 =	slt.s32 s9, $0x4D;
	s19 =	smov.u32 s9  }
0x11c: {  	s8 =	sor.u32 s16, s8;
	s18 =	sxor.u32 $0x80000000, s11;
	s19 =	simm.s32 @!p0 $0x4D  }
0x11d: {  	s8 =	sadd.s32 $0x9880, s8;
	s21 =	smulhi.u32 $0x51EB851F, s18;
	s19 =	sshll.u32 s19, $0xA  }
0x11e: {  	p0 =	sgt.s32 s7, $0x267F;
	s18 =	sshra.s32 s18, $0x1F;
	s12 =	sadd.s32 s17, s19  }
0x11f: {  	s9 =	sshll.u32 @!p0 s9, $0xA;
	s19 =	smul.u32 $0x51EB851F, s18;
	s7 =	sor.u32 s16, s12  }
0x120: {  	s14 =	sshll.u32 @p0 s14, $0xA;
	s17 =	sadd.s32 @!p0 s16, s17;
	s7 =	sshrl.u32 s7, $0x3  }
0x121: {  	s9 =	sadd.s32 @!p0 s9, s17;
	s22 =	sadd.s32 s19, s21;
	s7 =	sadd.s32 s4, s7  }
0x122: {  	[tilespmem:s8], [sflag:$0x2] =	stream.linear.gather [hbm4b:s7+s3], $0x80, $0x38;
	[tilespmem:$0xB100] =	vst v63  }
0x123: {  	s23 =	sshrl.u32 s22, $0x1F;
	s7 =	sor.u32 @p0 s16, s14;
	s8 =	sadd.s32 @!p0 $0x400, s9  }
0x124: {  	s9 =	sshra.s32 s22, $0x5;
	s8 =	smov.u32 @p0 s7;
	s7 =	smov.u32 s4  }
0x125: {  	s9 =	sadd.s32 s23, s9;
	s7 =	smov.u32 @p0 s2;
	s8 =	sshrl.u32 s8, $0x3  }
0x126: {  	s24 =	sadd.s32 $0x9C80, s20;
	s9 =	smul.u32 $0x64, s9;
	s7 =	sadd.s32 s7, s8  }
0x127: {  	[tilespmem:s24], [sflag:$0x2] =	stream.linear.gather [hbm4b:s7+s3], $0x80, $0x38;
	[tilespmem:$0xB100] =	vst v63  }
0x128: {  	s5 =	sadd.s32 s13, s25;
	s31 =	sshra.s32 s9, $0x1F;
	s7 =	smul.u32 $0x3000, s28  }
0x129: {  	s1 =	sadd.s32 $0x80, s15;
	s13 =	sshrl.u32 s5, $0x3;
	s8 =	sshrl.u32 s31, $0x19  }
0x12a: {  	s14 =	sand.u32 $0x380, s1;
	s8 =	sadd.s32 s8, s9;
	s7 =	sshra.s32 s7, $0x2  }
0x12b: {  	s15 =	smul.u32 $0x13C00, s13;
	s8 =	sshra.s32 s8, $0x7;
	s6 =	sadd.s32 s14, s7  }
0x12c: {  	s7 =	sor.u32 s14, s7;
	p0 =	slt.s32 s8, $0x4D;
	s17 =	smov.u32 s8  }
0x12d: {  	s7 =	sadd.s32 $0x9880, s7;
	s17 =	simm.s32 @!p0 $0x4D;
	p0 =	sgt.s32 s9, $0x267F  }
0x12e: {  	s11 =	sshll.u32 s17, $0xA;
	s8 =	sshll.u32 @!p0 s8, $0xA;
	s17 =	sadd.s32 @!p0 s14, s15  }
0x12f: {  	s13 =	sshll.u32 @p0 s13, $0xA;
	s9 =	sadd.s32 s15, s11;
	s8 =	sadd.s32 @!p0 s8, s17  }
0x130: {  	s13 =	sor.u32 @p0 s14, s13;
	s9 =	sor.u32 s14, s9;
	s8 =	sadd.s32 @!p0 $0x400, s8  }
0x131: {  	s9 =	sshrl.u32 s9, $0x3;
	s8 =	smov.u32 @p0 s13;
	s13 =	smov.u32 s4  }
0x132: {  	s9 =	sadd.s32 s4, s9;
	s13 =	smov.u32 @p0 s2;
	s8 =	sshrl.u32 s8, $0x3  }
0x133: {  	[tilespmem:s7], [sflag:$0x2] =	stream.linear.gather [hbm4b:s9+s3], $0x80, $0x38;
	[tilespmem:$0xB100] =	vst v63  }
0x134: {  	s1 =	simm.s32 $0x1;
	s12 =	sadd.s32 s13, s8;
	s13 =	sadd.s32 $0x9C80, s6  }
0x135: {  	[tilespmem:s13], [sflag:$0x2] =	stream.linear.gather [hbm4b:s12+s3], $0x80, $0x38;
	[tilespmem:$0xB100] =	vst v63  }
0x136: {  	_ =	swait.ge [sflag:s1], $0x1000  }
0x137: {  	[sflag:s1] =	ssyncset.done $0x0  }
0x138: {  	[sflag:s1] =	ssyncadd.s32 $0xFFFFF000  }
0x139: {  	v7 =	vld [tilespmem:s10+$0x0];
	_ =	sdelay $0x4  }
0x13a: {  	(v2sf) =	vpush v7, $0xD;
	_ =	sdelay $0x1  }
0x13b: {  	(v2sf) =	vpush v7, $0xC;
	_ =	sdelay $0x1  }
0x13c: {  	(v2sf) =	vpush v7, $0xE;
	_ =	sdelay $0x1  }
0x13d: {  	(v2sf) =	vpush v7, $0xF;
	_ =	sdelay $0x1  }
0x13e: {  	(v2sf) =	vpush v7, $0x9;
	_ =	sdelay $0x1  }
0x13f: {  	(v2sf) =	vpush v7, $0x8;
	_ =	sdelay $0x1  }
0x140: {  	(v2sf) =	vpush v7, $0xA  }
0x141: {  	(v2sf) =	vpush v7, $0xB  }
0x142: {  	(v2sf) =	vpush v7, $0x0  }
0x143: {  	s14 =	spop (v2sf)  }
0x144: {  	(v2sf) =	vpush v7, $0x1;
	s13 =	smulhi.u32 $0x51EB851F, s14;
	s7 =	sshra.s32 s14, $0x1F  }
0x145: {  	s15 =	spop (v2sf);
	s1 =	smul.u32 $0x51EB851F, s7  }
0x146: {  	(v2sf) =	vpush v7, $0x2;
	s18 =	smulhi.u32 $0x51EB851F, s15;
	s9 =	sshra.s32 s15, $0x1F  }
0x147: {  	s16 =	spop (v2sf);
	s9 =	smul.u32 $0x51EB851F, s9  }
0x148: {  	(v2sf) =	vpush v7, $0x3;
	s5 =	smulhi.u32 $0x51EB851F, s16;
	s15 =	sshra.s32 s16, $0x1F  }
0x149: {  	(v2sf) =	vpush v7, $0x4;
	s17 =	spop (v2sf);
	s19 =	smul.u32 $0x51EB851F, s15  }
0x14a: {  	[dreg:$0x1d] =	wrdreg s10;
	s20 =	smulhi.u32 $0x51EB851F, s17;
	s16 =	sshra.s32 s17, $0x1F  }
0x14b: {  	s21 =	spop (v2sf);
	s23 =	smul.u32 $0x51EB851F, s16  }
0x14c: {  	[smem:$0x7FA] =	sst s5;
	s28 =	smulhi.u32 $0x51EB851F, s21;
	s31 =	sshra.s32 s21, $0x1F  }
0x14d: {  	s1 =	sadd.s32 s1, s13;
	s22 =	spop (v2sf);
	s8 =	smul.u32 $0x51EB851F, s31  }
0x14e: {  	(v2sf) =	vpush v7, $0x5;
	[smem:$0x7FD] =	sst s1;
	s31 =	smulhi.u32 $0x51EB851F, s22;
	s15 =	sshra.s32 s22, $0x1F  }
0x14f: {  	(v2sf) =	vpush v7, $0x6;
	s24 =	spop (v2sf);
	s10 =	smul.u32 $0x51EB851F, s15  }
0x150: {  	(v2sf) =	vpush v7, $0x7;
	s5 =	spop (v2sf);
	s22 =	smulhi.u32 $0x51EB851F, s24;
	s24 =	sshra.s32 s24, $0x1F  }
0x151: {  	s23 =	sadd.s32 s23, s20;
	s6 =	spop (v2sf);
	s15 =	smul.u32 $0x51EB851F, s24  }
0x152: {  	s14 =	smulhi.u32 $0x51EB851F, s5;
	s17 =	sshra.s32 s5, $0x1F;
	[dreg:$0x1e] =	wrdreg s23  }
0x153: {  	s5 =	sshrl.u32 s1, $0x1F;
	s7 =	spop (v2sf);
	s13 =	smul.u32 $0x51EB851F, s17  }
0x154: {  	s17 =	sadd.s32 s9, s18;
	s9 =	smulhi.u32 $0x51EB851F, s6;
	[smem:$0x7FB] =	sst s5  }
0x155: {  	s6 =	sshra.s32 s6, $0x1F;
	s18 =	sld [smem:$0x7FA];
	s11 =	spop (v2sf)  }
0x156: {  	[smem:$0x7FC] =	sst s17;
	s1 =	smul.u32 $0x51EB851F, s6  }
0x157: {  	s17 =	sshrl.u32 s17, $0x1F;
	s5 =	smulhi.u32 $0x51EB851F, s7;
	s12 =	spop (v2sf)  }
0x158: {  	v9 =	vmov s17;
	s17 =	sld [smem:$0x7FB];
	s16 =	spop (v2sf);
	s6 =	sadd.s32 s19, s18  }
0x159: {  	s19 =	sshra.s32 s7, $0x1F;
	s7 =	sadd.s32 s13, s14;
	s1 =	sadd.s32 s1, s9  }
0x15a: {  	[dreg:$0x1f] =	wrdreg s6;
	s18 =	sshrl.u32 s6, $0x1F;
	s20 =	smul.u32 $0x51EB851F, s19  }
0x15b: {  	s6 =	sadd.s32 s8, s28;
	s8 =	smulhi.u32 $0x51EB851F, s11;
	s11 =	sshra.s32 s11, $0x1F  }
0x15c: {  	s28 =	sshrl.u32 s23, $0x1F;
	s23 =	sadd.s32 s10, s31;
	s10 =	smul.u32 $0x51EB851F, s11  }
0x15d: {  	s21 =	spop (v2sf);
	s19 =	sadd.s32 s15, s22;
	s11 =	smulhi.u32 $0x51EB851F, s12  }
0x15e: {  	s12 =	sshra.s32 s12, $0x1F;
	s15 =	sshrl.u32 s6, $0x1F;
	s24 =	spop (v2sf)  }
0x15f: {  	s22 =	sshrl.u32 s23, $0x1F;
	s12 =	smul.u32 $0x51EB851F, s12;
	s31 =	spop (v2sf)  }
0x160: {  	s9 =	sshrl.u32 s19, $0x1F;
	s14 =	smulhi.u32 $0x51EB851F, s31;
	s13 =	sshra.s32 s31, $0x1F  }
0x161: {  	s6 =	sshra.s32 s6, $0x5;
	s5 =	sadd.s32 s20, s5;
	s13 =	smul.u32 $0x51EB851F, s13  }
0x162: {  	v11 =	vmov s22;
	s22 =	sld [smem:$0x7FC];
	s31 =	smulhi.u32 $0x51EB851F, s16;
	s16 =	sshra.s32 s16, $0x1F  }
0x163: {  	v9 =	vsel vm2, s17, v9;
	s8 =	sadd.s32 s10, s8;
	s16 =	smul.u32 $0x51EB851F, s16;
	s20 =	sadd.s32 s13, s14  }
0x164: {  	v9 =	vsel vm4, s18, v9;
	s18 =	sshra.s32 s24, $0x1F;
	s11 =	sadd.s32 s12, s11;
	s14 =	sshra.s32 s20, $0x1F  }
0x165: {  	s12 =	sshrl.u32 s5, $0x1F;
	s10 =	sadd.s32 s16, s31;
	s16 =	sshra.s32 s1, $0x5;
	v8 =	vmov s14  }
0x166: {  	vm1 =	vcmask $0x704;
	v9 =	vsel vm6, s28, v9;
	s17 =	sshrl.u32 s8, $0x1F;
	s31 =	sshrl.u32 s1, $0x1F;
	s1 =	sshra.s32 s1, $0x1F;
	v8 =	vsel vm0, s16, v8  }
0x167: {  	v11 =	vsel vm2, s15, v11;
	s28 =	smul.u32 $0x51EB851F, s18;
	s15 =	sshra.s32 s11, $0x5;
	v10 =	vmov s31;
	s31 =	sshra.s32 s5, $0x5;
	v8 =	vsel vm1, s1, v8  }
0x168: {  	s5 =	sshra.s32 s5, $0x1F;
	s14 =	smulhi.u32 $0x51EB851F, s21;
	s21 =	sshra.s32 s21, $0x1F;
	v10 =	vnsel vm0, $0x0, v10;
	v8 =	vsel vm2, s31, v8  }
0x169: {  	v11 =	vsel vm4, s9, v11;
	s13 =	sshrl.u32 s7, $0x1F;
	s16 =	smul.u32 $0x51EB851F, s21;
	v10 =	vsel vm2, s12, v10;
	s21 =	sshra.s32 s8, $0x5;
	v8 =	vsel vm5, s5, v8  }
0x16a: {  	v11 =	vsel vm6, s13, v11;
	s12 =	smulhi.u32 $0x51EB851F, s24;
	s24 =	sshrl.u32 s11, $0x1F;
	s8 =	sshra.s32 s8, $0x1F;
	v10 =	vsel vm4, s17, v10;
	v8 =	vsel vm4, s21, v8  }
0x16b: {  	s9 =	sshra.s32 s22, $0x5;
	s13 =	rddreg [dreg:$0x1f];
	v9 =	vcombine.low v11, v9;
	v10 =	vsel vm6, s24, v10;
	s31 =	sshrl.u32 s10, $0x1F;
	v8 =	vsel vm3, s8, v8  }
0x16c: {  	v11 =	vmov s9;
	s9 =	sshra.s32 s13, $0x5;
	s17 =	sshra.s32 s11, $0x1F;
	v10 =	vsel vm8, s31, v10;
	s31 =	sld [smem:$0x7FD];
	v8 =	vsel vm6, s15, v8  }
0x16d: {  	s1 =	sadd.s32 s16, s14;
	s24 =	sshra.s32 s23, $0x5;
	s21 =	sshra.s32 s10, $0x5;
	v8 =	vsel vm7, s17, v8  }
0x16e: {  	s16 =	sshrl.u32 s1, $0x1F;
	s5 =	sadd.s32 s28, s12;
	s28 =	sshra.s32 s10, $0x1F;
	v12 =	vmov s24;
	v8 =	vsel vm8, s21, v8  }
0x16f: {  	s12 =	sshra.s32 s1, $0x5;
	v10 =	vsel vm10, s16, v10;
	s18 =	sshrl.u32 s5, $0x1F;
	v12 =	vsel vm2, s6, v12;
	s10 =	sshra.s32 s31, $0x5;
	v8 =	vsel vm9, s28, v8  }
0x170: {  	s14 =	sshra.s32 s19, $0x5;
	s1 =	sshra.s32 s1, $0x1F;
	v10 =	vsel vm12, s18, v10;
	s15 =	rddreg [dreg:$0x1e];
	v11 =	vsel vm2, s10, v11;
	v8 =	vsel vm10, s12, v8  }
0x171: {  	s16 =	sshra.s32 s7, $0x5;
	v12 =	vsel vm4, s14, v12;
	s8 =	sshra.s32 s15, $0x5;
	s17 =	sshra.s32 s5, $0x5;
	v11 =	vsel vm4, s9, v11;
	v8 =	vsel vm11, s1, v8  }
0x172: {  	s19 =	sshra.s32 s5, $0x1F;
	s18 =	sshrl.u32 s20, $0x1F;
	v12 =	vsel vm6, s16, v12;
	v11 =	vsel vm6, s8, v11;
	v8 =	vsel vm12, s17, v8  }
0x173: {  	v10 =	vsel vm13, s18, v10;
	s21 =	sshra.s32 s20, $0x5;
	v11 =	vcombine.low v12, v11;
	v8 =	vsel vm14, s19, v8  }
0x174: {  	v9 =	vperm.xlane v9, v2;
	v10 =	vperm.xlane v10, v3;
	v8 =	vsel vm13, s21, v8  }
0x175: {  	v11 =	vperm.xlane v11, v2;
	v8 =	vperm.xlane v8, v3;
	_ =	sdelay $0x1  }
0x176: {  	v9 =	vsel vm15, v10, v9;
	v8 =	vsel vm15, v8, v11  }
0x177: {  	v8 =	vadd.s32 v9, v8  }
0x178: {  	v14 =	vmul.u32 $0x64, v8;
	_ =	sdelay $0x1  }
0x179: {  	v9 =	vshra.s32 v14, $0x1F  }
0x17a: {  	v9 =	vshrl.u32 v9, $0x19  }
0x17b: {  	v9 =	vadd.s32 v9, v14  }
0x17c: {  	s6 =	rddreg [dreg:$0x1d];
	v9 =	vshra.s32 v9, $0x7  }
0x17d: {  	v10 =	vmov s6;
	vm1 =	vlt.s32 v9, $0x4D;
	v11 =	vshll.u32 v9, $0x7  }
0x17e: {  	v12 =	vshll.u32 v10, $0x8;
	v9 =	vnsel vm1, $0x4D, v9;
	v11 =	vadd.s32 $0x80, v11  }
0x17f: {  	s22 =	simm.s32 $0x0;
	v10 =	vshll.u32 v9, $0x7;
	vm1 =	vlt.s32 v11, $0x2700;
	v9 =	vor.u32 v4, v12  }
0x180: {  	v13 =	vadd.s32 s22, v14;
	v11 =	vnsel vm1, $0x2700, v11;
	v9 =	vand.u32 $0x6800, v9  }
0x181: {  	v12 =	vadd.s32 $0x80, v10;
	v18 =	vsub.s32 $0x0, v10;
	v16 =	vor.u32 v5, v9  }
0x182: {  	v17 =	vsub.s32 $0x80, v11;
	vm1 =	vlt.s32 v13, v12;
	v19 =	vor.u32 s22, v16  }
0x183: {  	v15 =	vor.u32 $0x1, v13;
	v20 =	vsel vm1, v18, v17  }
0x184: {  	s23 =	simm.s32 $0x1;
	vm1 =	vlt.s32 v15, v12;
	v13 =	vadd.s32 v20, v13  }
0x185: {  	v21 =	vor.u32 s23, v16;
	v20 =	vsel vm1, v18, v17;
	v22 =	vshll.u32 v13, $0x3  }
0x186: {  	v15 =	vadd.s32 v20, v15;
	v13 =	vand.u32 $0x7F, v13;
	v20 =	vand.u32 $0xFFFFFC00, v22  }
0x187: {  	v13 =	vor.u32 v13, v20;
	v19 =	vld.idx.msk [tilespmem:v19+s29+$0x0], $0xffff  }
0x188: {  	v22 =	vshll.u32 v15, $0x3;
	v13 =	vadd.s32 v6, v13  }
0x189: {  	v15 =	vand.u32 $0x7F, v15;
	v20 =	vand.u32 $0xFFFFFC00, v22  }
0x18a: {  	s24 =	simm.s32 $0x2;
	v15 =	vor.u32 v15, v20;
	v20 =	vld.idx.msk [tilespmem:v21+s29+$0x0], $0xffff  }
0x18b: {  	v21 =	vadd.s32 s24, v14;
	v15 =	vadd.s32 v6, v15  }
0x18c: {  	s28 =	simm.s32 $0x3;
	vm1 =	vlt.s32 v21, v12;
	v22 =	vor.u32 $0x1, v21;
	v19 =	vmul.f32 $1.442695020e+00, v19  }
0x18d: {  	v26 =	vor.u32 s28, v16;
	v24 =	vsel vm1, v18, v17;
	vm1 =	vlt.s32 v22, v12;
	v23 =	vld.idx.msk [tilespmem:v13+s30+$0x0], $0xffff  }
0x18e: {  	v21 =	vadd.s32 v24, v21;
	(erf) = vpow2.f32 v19;
	v19 =	vor.u32 s24, v16  }
0x18f: {  	v25 =	vsel vm1, v18, v17;
	v24 =	vshll.u32 v21, $0x3;
	v20 =	vmul.f32 $1.442695020e+00, v20  }
0x190: {  	v22 =	vadd.s32 v25, v22;
	v21 =	vand.u32 $0x7F, v21;
	v24 =	vand.u32 $0xFFFFFC00, v24;
	v15 =	vld.idx.msk [tilespmem:v15+s30+$0x0], $0xffff  }
0x191: {  	v25 =	vshll.u32 v22, $0x3;
	v22 =	vand.u32 $0x7F, v22;
	(erf) = vpow2.f32 v20  }
0x192: {  	v20 =	vor.u32 v21, v24;
	v21 =	vmul.f32 $1.442695020e+00, v23;
	v23 =	vand.u32 $0xFFFFFC00, v25  }
0x193: {  	v24 =	vadd.s32 v6, v20;
	v20 =	vor.u32 v22, v23;
	v22 =	vld.idx.msk [tilespmem:v19+s29+$0x0], $0xffff;
	_ =	sdelay $0x1  }
0x194: {  	s31 =	simm.s32 $0x5;
	v13 =	vimm.f32 $0.0e+00;
	v15 =	vmul.f32 $1.442695020e+00, v15;
	v25 =	vadd.s32 v6, v20  }
0x195: {  	v23 =	vld.idx.msk [tilespmem:v26+s29+$0x0], $0xffff;
	(erf) = vpow2.f32 v21;
	v21 =	vor.u32 s31, v16;
	v19 =	vimm.f32 $0.0e+00  }
0x196: {  	s13 =	simm.s32 $0x7;
	s14 =	simm.s32 $0x4;
	v20 =	vimm.f32 $0.0e+00;
	(erf) = vpow2.f32 v15;
	v15 =	vimm.f32 $0.0e+00  }
.LBB2_7:
0x197: {  	p0 =	sne.s32 s13, $0x63;
	v26 =	vadd.s32 s14, v14;
	v27 =	vor.u32 s14, v16;
	v22 =	vmul.f32 $1.442695020e+00, v22;
	v28 =	vpop (erf)  }
0x198: {  	vm1 =	vlt.s32 v26, v12;
	v29 =	vor.u32 $0x1, v26;
	v30 =	vld.idx.msk [tilespmem:v24+s30+$0x0], $0xffff;
	v13 =	vadd.f32 v28, v13  }
0x199: {  	v24 =	vsel vm1, v18, v17;
	vm1 =	vlt.s32 v29, v12;
	v28 =	vld.idx.msk [tilespmem:v25+s30+$0x0], $0xffff;
	(erf) = vpow2.f32 v22  }
0x19a: {  	v23 =	vmul.f32 $1.442695020e+00, v23;
	v22 =	vadd.s32 v24, v26;
	v24 =	vsel vm1, v18, v17;
	v26 =	vpop (erf)  }
0x19b: {  	v25 =	vand.u32 $0x7F, v22;
	v22 =	vshll.u32 v22, $0x3;
	v24 =	vadd.s32 v24, v29  }
0x19c: {  	v32 =	vand.u32 $0xFFFFFC00, v22;
	v31 =	vshll.u32 v24, $0x3;
	v22 =	vld.idx.msk [tilespmem:v27+s29+$0x0], $0xffff;
	(erf) = vpow2.f32 v23  }
.Ltmp2:
0x19d: {  	v23 =	vor.u32 v25, v32;
	v25 =	vand.u32 $0x7F, v24;
	v27 =	vand.u32 $0xFFFFFC00, v31;
	(pc) =	sbr.rel @p0 .LBB2_7-.Ltmp2, $4  }
0x19e: {  	v24 =	vadd.s32 v6, v23;
	v23 =	vor.u32 v25, v27;
	v27 =	vmul.f32 $1.442695020e+00, v30;
	v29 =	vpop (erf)  }
0x19f: {  	v28 =	vmul.f32 $1.442695020e+00, v28;
	v25 =	vadd.s32 v6, v23;
	v23 =	vld.idx.msk [tilespmem:v21+s29+$0x0], $0xffff;
	v19 =	vadd.f32 v29, v19;
	v21 =	vpop (erf)  }
0x1a0: {  	v15 =	vadd.f32 v26, v15;
	(erf) = vpow2.f32 v27;
	v20 =	vadd.f32 v21, v20  }
0x1a1: {  	s14 =	sadd.s32 $0xFFFFFFFF, s13;
	v21 =	vor.u32 s13, v16;
	s13 =	sadd.s32 $0x2, s13;
	(erf) = vpow2.f32 v28  }
0x1a2: {  	v14 =	vadd.s32 s14, v14  }
0x1a3: {  	vm1 =	vlt.s32 v14, v12;
	v26 =	vor.u32 $0x1, v14  }
0x1a4: {  	v27 =	vsel vm1, v18, v17;
	vm1 =	vlt.s32 v26, v12  }
0x1a5: {  	v14 =	vadd.s32 v27, v14;
	v59 =	vsel vm1, v18, v17  }
0x1a6: {  	v16 =	vor.u32 s14, v16;
	v60 =	vshll.u32 v14, $0x3;
	v17 =	vadd.s32 v59, v26  }
0x1a7: {  	v14 =	vand.u32 $0x7F, v14;
	v18 =	vand.u32 $0xFFFFFC00, v60;
	v26 =	vshll.u32 v17, $0x3  }
0x1a8: {  	v17 =	vand.u32 $0x7F, v17;
	v14 =	vor.u32 v14, v18;
	v61 =	vand.u32 $0xFFFFFC00, v26  }
0x1a9: {  	v14 =	vadd.s32 v6, v14;
	v17 =	vor.u32 v17, v61  }
0x1aa: {  	v62 =	vld.idx.msk [tilespmem:v24+s30+$0x0], $0xffff;
	v17 =	vadd.s32 v6, v17  }
0x1ab: {  	v63 =	vld.idx.msk [tilespmem:v25+s30+$0x0], $0xffff  }
0x1ac: {  	v16 =	vld.idx.msk [tilespmem:v16+s29+$0x0], $0xffff  }
0x1ad: {  	v22 =	vmul.f32 $1.442695020e+00, v22;
	v21 =	vld.idx.msk [tilespmem:v21+s29+$0x0], $0xffff  }
0x1ae: {  	v23 =	vmul.f32 $1.442695020e+00, v23;
	v14 =	vld.idx.msk [tilespmem:v14+s30+$0x0], $0xffff  }
0x1af: {  	(erf) = vpow2.f32 v22;
	v18 =	vmul.f32 $1.442695020e+00, v62;
	v17 =	vld.idx.msk [tilespmem:v17+s30+$0x0], $0xffff  }
0x1b0: {  	(erf) = vpow2.f32 v23;
	v28 =	vmul.f32 $1.442695020e+00, v63  }
0x1b1: {  	(erf) = vpow2.f32 v18;
	v16 =	vmul.f32 $1.442695020e+00, v16  }
0x1b2: {  	v29 =	vmul.f32 $1.442695020e+00, v21;
	(erf) = vpow2.f32 v28  }
0x1b3: {  	(erf) = vpow2.f32 v16;
	v14 =	vmul.f32 $1.442695020e+00, v14  }
0x1b4: {  	v30 =	vpop (erf);
	(erf) = vpow2.f32 v29;
	v17 =	vmul.f32 $1.442695020e+00, v17  }
0x1b5: {  	v31 =	vpop (erf);
	(erf) = vpow2.f32 v14  }
0x1b6: {  	v32 =	vpop (erf);
	(erf) = vpow2.f32 v17  }
0x1b7: {  	v33 =	vpop (erf)  }
0x1b8: {  	v34 =	vpop (erf)  }
0x1b9: {  	v35 =	vpop (erf)  }
0x1ba: {  	v36 =	vpop (erf)  }
0x1bb: {  	v37 =	vpop (erf)  }
0x1bc: {  	v14 =	vadd.f32 v32, v19;
	v17 =	vadd.f32 v33, v20;
	v38 =	vpop (erf)  }
0x1bd: {  	v39 =	vpop (erf)  }
0x1be: {  	v14 =	vadd.f32 v36, v14;
	v17 =	vadd.f32 v37, v17;
	v40 =	vpop (erf)  }
0x1bf: {  	v41 =	vpop (erf)  }
0x1c0: {  	v14 =	vadd.f32 v40, v14;
	v17 =	vadd.f32 v41, v17;
	_ =	sdelay $0x1  }
0x1c1: {  	v14 =	vadd.f32 v17, v14;
	_ =	sdelay $0x1  }
0x1c2: {  	v17 =	vand.u32 $0x7FFFFF, v14  }
0x1c3: {  	v17 =	vor.u32 $0x3F800000, v17  }
0x1c4: {  	v42 =	vadd.f32 $-1.000000000e+00, v17;
	_ =	sdelay $0x1  }
0x1c5: {  	v43 =	vmul.f32 $3.333333430e-01, v42;
	_ =	sdelay $0x1  }
0x1c6: {  	v24 =	vadd.f32 $-5.000000000e-01, v43;
	_ =	sdelay $0x1  }
0x1c7: {  	v24 =	vmul.f32 v24, v42;
	_ =	sdelay $0x1  }
0x1c8: {  	v24 =	vadd.f32 $1.000000000e+00, v24;
	_ =	sdelay $0x1  }
0x1c9: {  	v23 =	vmul.f32 v24, v42;
	_ =	sdelay $0x1  }
0x1ca: {  	v24 =	vsub.f32 $0.0e+00, v23;
	_ =	sdelay $0x1  }
0x1cb: {  	v24 =	vmul.f32 $1.442695020e+00, v24;
	_ =	sdelay $0x1  }
0x1cc: {  	(erf) = vpow2.f32 v24;
	_ =	sdelay $0x8  }
0x1cd: {  	v24 =	vpop (erf)  }
0x1ce: {  	v23 =	vadd.f32 $-1.000000000e+00, v23;
	v24 =	vmul.f32 v17, v24  }
0x1cf: {  	v13 =	vadd.f32 v30, v13;
	v15 =	vadd.f32 v31, v15  }
0x1d0: {  	v44 =	vadd.f32 v24, v23  }
0x1d1: {  	v13 =	vadd.f32 v34, v13;
	v15 =	vadd.f32 v35, v15  }
0x1d2: {  	v45 =	vsub.f32 $0.0e+00, v44  }
0x1d3: {  	v13 =	vadd.f32 v38, v13;
	v15 =	vadd.f32 v39, v15  }
0x1d4: {  	v18 =	vmul.f32 $1.442695020e+00, v45  }
0x1d5: {  	v13 =	vadd.f32 v15, v13  }
0x1d6: {  	(erf) = vpow2.f32 v18  }
0x1d7: {  	v15 =	vand.u32 $0x7FFFFF, v13  }
0x1d8: {  	v15 =	vor.u32 $0x3F800000, v15  }
0x1d9: {  	v46 =	vadd.f32 $-1.000000000e+00, v15;
	_ =	sdelay $0x1  }
0x1da: {  	v47 =	vmul.f32 $3.333333430e-01, v46;
	_ =	sdelay $0x1  }
0x1db: {  	v19 =	vadd.f32 $-5.000000000e-01, v47;
	_ =	sdelay $0x1  }
0x1dc: {  	v19 =	vmul.f32 v19, v46;
	v48 =	vpop (erf)  }
0x1dd: {  	v16 =	vadd.f32 $-1.000000000e+00, v44;
	v20 =	vmul.f32 v17, v48  }
0x1de: {  	v19 =	vadd.f32 $1.000000000e+00, v19  }
0x1df: {  	v16 =	vadd.f32 v20, v16  }
0x1e0: {  	v18 =	vmul.f32 v19, v46  }
0x1e1: {  	v49 =	vsub.f32 $0.0e+00, v16  }
0x1e2: {  	v50 =	vsub.f32 $0.0e+00, v18  }
0x1e3: {  	v19 =	vmul.f32 $1.442695020e+00, v49  }
0x1e4: {  	v20 =	vmul.f32 $1.442695020e+00, v50  }
0x1e5: {  	(erf) = vpow2.f32 v19  }
0x1e6: {  	(erf) = vpow2.f32 v20;
	_ =	sdelay $0x7  }
0x1e7: {  	v19 =	vpop (erf)  }
0x1e8: {  	v20 =	vpop (erf)  }
0x1e9: {  	v18 =	vadd.f32 $-1.000000000e+00, v18;
	v20 =	vmul.f32 v15, v20;
	_ =	sdelay $0x1  }
0x1ea: {  	v18 =	vadd.f32 v20, v18;
	_ =	sdelay $0x1  }
0x1eb: {  	v20 =	vsub.f32 $0.0e+00, v18;
	_ =	sdelay $0x1  }
0x1ec: {  	v20 =	vmul.f32 $1.442695020e+00, v20;
	_ =	sdelay $0x1  }
0x1ed: {  	(erf) = vpow2.f32 v20;
	_ =	sdelay $0x8  }
0x1ee: {  	v20 =	vpop (erf)  }
0x1ef: {  	v18 =	vadd.f32 $-1.000000000e+00, v18;
	v20 =	vmul.f32 v15, v20;
	_ =	sdelay $0x1  }
0x1f0: {  	v18 =	vadd.f32 v20, v18;
	_ =	sdelay $0x1  }
0x1f1: {  	v20 =	vsub.f32 $0.0e+00, v18;
	_ =	sdelay $0x1  }
0x1f2: {  	v20 =	vmul.f32 $1.442695020e+00, v20  }
0x1f3: {  	vm1 =	vgt.s32 v8, $0x1  }
0x1f4: {  	v8 =	vnsel vm1, $0x1, v8;
	(erf) = vpow2.f32 v20  }
0x1f5: {  	v11 =	vsub.s32 v7, v11;
	v10 =	vsub.s32 v7, v10;
	v8 =	vadd.s32 $0xFFFFFFFF, v8  }
0x1f6: {  	v11 =	vadd.s32 $0x80, v11;
	vm1 =	vlt.s32 v7, v12;
	v51 =	vshll.u32 v8, $0x3  }
0x1f7: {  	v10 =	vsel vm1, v10, v11;
	v52 =	vand.u32 $0x7FFFFC00, v51  }
0x1f8: {  	v53 =	vshll.u32 v10, $0x3;
	v8 =	vand.u32 $0x7F, v8;
	v9 =	vadd.s32 v9, v52  }
0x1f9: {  	v10 =	vand.u32 $0x7F, v10;
	v54 =	vand.u32 $0xFFFFFC00, v53;
	v8 =	vor.u32 v8, v9  }
0x1fa: {  	v55 =	vor.u32 v10, v54;
	v8 =	vor.u32 v5, v8;
	v57 =	vshrl.u32 v13, $0x17  }
0x1fb: {  	v9 =	vadd.s32 v6, v55;
	v11 =	vand.u32 $0xFF, v57  }
0x1fc: {  	v11 =	vadd.s32 $0xFFFFFF81, v11;
	v56 =	vshrl.u32 v14, $0x17  }
0x1fd: {  	v11 =	vcvt.s32.f32 v11;
	v10 =	vand.u32 $0xFF, v56;
	v58 =	vpop (erf)  }
0x1fe: {  	v10 =	vadd.s32 $0xFFFFFF81, v10;
	v59 =	vadd.f32 $-1.000000000e+00, v18;
	v12 =	vmul.f32 v15, v58  }
0x1ff: {  	v8 =	vld.idx.msk [tilespmem:v8+s29+$0x0], $0xffff;
	v10 =	vcvt.s32.f32 v10;
	v60 =	vadd.f32 $-1.000000000e+00, v16;
	v61 =	vmul.f32 v17, v19  }
0x200: {  	v9 =	vld.idx.msk [tilespmem:v9+s30+$0x0], $0xffff;
	v11 =	vmul.f32 $6.931471820e-01, v11;
	v12 =	vadd.f32 v12, v59  }
0x201: {  	v10 =	vmul.f32 $6.931471820e-01, v10;
	v62 =	vadd.f32 v61, v60  }
0x202: {  	v11 =	vadd.f32 v12, v11  }
0x203: {  	v10 =	vadd.f32 v62, v10  }
0x204: {  	v63 =	vld [tilespmem:$0xB080];
	v8 =	vsub.f32 v11, v8  }
0x205: {  	s1 =	rddreg [dreg:$0x1b];
	vm1 =	vgt.s32 v7, $0x63;
	v9 =	vsub.f32 v10, v9  }
0x206: {  	p0 =	seq.s32 s1, $0x3;
	v7 =	vnsel vm1, $0x0, v8  }
.Ltmp3:
0x207: {  	v7 =	vadd.f32 v7, v9;
	(pc) =	sbr.rel @p0 .LBB2_12-.Ltmp3, $3  }
0x208: {  	_ = 	snop  }
0x209: {  	v7 =	vadd.f32 v7, v63;
	_ =	sdelay $0x1  }
0x20a: {  	[tilespmem:$0xB080] =	vst v7  }
0x20b: {  	v7 =	vld [tilespmem:s6+$0x20];
	_ =	sdelay $0x2  }
0x20c: {  	s13 =	simm.s32 $0x0  }
0x20d: {  	v8 =	vmov s13  }
0x20e: {  	vm1 =	veq.s32 v8, v0;
	v7 =	vxor.u32 $0x80000000, v7  }
0x20f: {  	v8 =	vnsel vm1, $0x7FFFFFFF, v7  }
0x210: {  	(xrf0) =	vmax.scan.msk.u32 $0xffff, v8;
	_ =	sdelay $0x5  }
0x211: {  	v8, _, _ =	vpop (xrf0)  }
0x212: {  	s14 =	simm.s32 $0x1;
	(v2sf) =	vpush v8, $0xF  }
0x213: {  	v8 =	vmov s14  }
0x214: {  	vm1 =	veq.s32 v8, v0  }
0x215: {  	v8 =	vnsel vm1, $0x7FFFFFFF, v7  }
0x216: {  	(xrf0) =	vmax.scan.msk.u32 $0xffff, v8;
	_ =	sdelay $0x5  }
0x217: {  	v8, _, _ =	vpop (xrf0)  }
0x218: {  	(v2sf) =	vpush v8, $0xF;
	_ =	sdelay $0x3  }
0x219: {  	s1 =	spop (v2sf)  }
0x21a: {  	s1 =	sxor.u32 $0x80000000, s1  }
0x21b: {  	s5 =	smulhi.u32 $0x51EB851F, s1;
	s1 =	sshra.s32 s1, $0x1F  }
0x21c: {  	s1 =	smul.u32 $0x51EB851F, s1;
	_ =	sdelay $0x1  }
0x21d: {  	s12 =	simm.s32 $0x2;
	s1 =	sadd.s32 s1, s5  }
0x21e: {  	s21 =	simm.s32 $0x0;
	v8 =	vmov s12;
	s5 =	sshrl.u32 s1, $0x1F;
	s1 =	sshra.s32 s1, $0x5  }
0x21f: {  	vm1 =	veq.s32 v8, v0;
	s1 =	sadd.s32 s5, s1;
	s5 =	smul.u32 $0x3000, s21  }
0x220: {  	s22 =	sadd.s32 $0x0, s26;
	v8 =	vnsel vm1, $0x7FFFFFFF, v7;
	s1 =	smul.u32 $0x64, s1  }
0x221: {  	s15 =	simm.s32 $0x3;
	s8 =	sand.u32 $0x380, s13;
	s6 =	sshrl.u32 s22, $0x3;
	(xrf0) =	vmax.scan.msk.u32 $0xffff, v8  }
0x222: {  	s9 =	smul.u32 $0x13C00, s6;
	s5 =	sshra.s32 s5, $0x2;
	s7 =	sshra.s32 s1, $0x1F  }
0x223: {  	s10 =	spop (v2sf);
	s11 =	sor.u32 s8, s5;
	s7 =	sshrl.u32 s7, $0x19  }
0x224: {  	s28 =	sadd.s32 s8, s5;
	s10 =	sxor.u32 $0x80000000, s10;
	s7 =	sadd.s32 s7, s1  }
0x225: {  	s11 =	sadd.s32 $0x8080, s11;
	s17 =	smulhi.u32 $0x51EB851F, s10;
	s7 =	sshra.s32 s7, $0x7  }
0x226: {  	s10 =	sshra.s32 s10, $0x1F;
	p0 =	slt.s32 s7, $0x4D;
	s16 =	smov.u32 s7  }
0x227: {  	v8, _, _ =	vpop (xrf0);
	s24 =	smul.u32 $0x51EB851F, s10;
	s16 =	simm.s32 @!p0 $0x4D;
	p0 =	sgt.s32 s1, $0x267F  }
0x228: {  	(v2sf) =	vpush v8, $0xF;
	s23 =	sshll.u32 s16, $0xA;
	s7 =	sshll.u32 @!p0 s7, $0xA;
	s16 =	sadd.s32 @!p0 s8, s9  }
0x229: {  	s6 =	sshll.u32 @p0 s6, $0xA;
	s1 =	sadd.s32 s9, s23;
	s7 =	sadd.s32 @!p0 s7, s16  }
0x22a: {  	s6 =	sor.u32 @p0 s8, s6;
	s1 =	sor.u32 s8, s1;
	s7 =	sadd.s32 @!p0 $0x400, s7  }
0x22b: {  	s1 =	sshrl.u32 s1, $0x3;
	s7 =	smov.u32 @p0 s6;
	s6 =	smov.u32 s4  }
0x22c: {  	s1 =	sadd.s32 s4, s1;
	s6 =	smov.u32 @p0 s2;
	s31 =	sshrl.u32 s7, $0x3  }
0x22d: {  	[tilespmem:s11], [sflag:$0x1] =	stream.linear.gather [hbm4b:s1+s3], $0x80, $0x38;
	[tilespmem:$0xB100] =	vst v63  }
0x22e: {  	s18 =	sadd.s32 $0x8480, s28;
	s16 =	sadd.s32 s24, s17;
	s17 =	sadd.s32 s6, s31  }
.LBB2_10:
0x22f: {  	[tilespmem:s18], [sflag:$0x1] =	stream.linear.gather [hbm4b:s17+s3], $0x80, $0x38;
	[tilespmem:$0xB100] =	vst v63  }
0x230: {  	v8 =	vmov s15;
	s1 =	smov.u32 s12;
	s12 =	smov.u32 s15  }
0x231: {  	s5 =	sshrl.u32 s16, $0x1F;
	s6 =	sshra.s32 s16, $0x5;
	s7 =	sshrl.u32 s14, $0x3;
	vm1 =	veq.s32 v8, v0  }
0x232: {  	s13 =	sadd.s32 $0x80, s13;
	s5 =	sadd.s32 s5, s6;
	s6 =	smul.u32 $0x3000, s7;
	v8 =	vnsel vm1, $0x7FFFFFFF, v7  }
0x233: {  	s15 =	sadd.s32 $0x1, s15;
	s7 =	sadd.s32 s14, s26;
	s5 =	smul.u32 $0x64, s5;
	(xrf0) =	vmax.scan.msk.u32 $0xffff, v8  }
0x234: {  	s8 =	sand.u32 $0x380, s13;
	s14 =	smov.u32 s1;
	s7 =	sshrl.u32 s7, $0x3  }
0x235: {  	s9 =	smul.u32 $0x13C00, s7;
	s6 =	sshra.s32 s6, $0x2;
	s1 =	sshra.s32 s5, $0x1F  }
0x236: {  	p0 =	sne.s32 s15, $0x10;
	s10 =	sadd.s32 s8, s6;
	s1 =	sshrl.u32 s1, $0x19  }
0x237: {  	s6 =	sor.u32 s8, s6;
	s1 =	sadd.s32 s1, s5;
	s11 =	spop (v2sf)  }
0x238: {  	s6 =	sadd.s32 $0x8080, s6;
	s1 =	sshra.s32 s1, $0x7;
	s11 =	sxor.u32 $0x80000000, s11  }
0x239: {  	p1 =	slt.s32 s1, $0x4D;
	s17 =	smov.u32 s1;
	s16 =	smulhi.u32 $0x51EB851F, s11  }
0x23a: {  	v8, _, _ =	vpop (xrf0);
	s11 =	sshra.s32 s11, $0x1F;
	s17 =	simm.s32 @!p1 $0x4D;
	p1 =	sgt.s32 s5, $0x267F  }
0x23b: {  	(v2sf) =	vpush v8, $0xF;
	s5 =	sshll.u32 s17, $0xA;
	s1 =	sshll.u32 @!p1 s1, $0xA;
	s17 =	sadd.s32 @!p1 s8, s9  }
0x23c: {  	s7 =	sshll.u32 @p1 s7, $0xA;
	s5 =	sadd.s32 s9, s5;
	s1 =	sadd.s32 @!p1 s1, s17  }
0x23d: {  	s7 =	sor.u32 @p1 s8, s7;
	s5 =	sor.u32 s8, s5;
	s8 =	smul.u32 $0x51EB851F, s11  }
.Ltmp4:
0x23e: {  	s1 =	sadd.s32 @!p1 $0x400, s1;
	(pc) =	sbr.rel @p0 .LBB2_10-.Ltmp4, $4  }
0x23f: {  	s5 =	sshrl.u32 s5, $0x3;
	s1 =	smov.u32 @p1 s7;
	s7 =	smov.u32 s4  }
0x240: {  	s5 =	sadd.s32 s4, s5;
	s7 =	smov.u32 @p1 s2;
	s1 =	sshrl.u32 s1, $0x3  }
0x241: {  	[tilespmem:s6], [sflag:$0x1] =	stream.linear.gather [hbm4b:s5+s3], $0x80, $0x38;
	[tilespmem:$0xB100] =	vst v63  }
0x242: {  	s18 =	sadd.s32 $0x8480, s10;
	s16 =	sadd.s32 s8, s16;
	s17 =	sadd.s32 s7, s1  }
0x243: {  	s1 =	sshrl.u32 s16, $0x1F;
	s5 =	sshra.s32 s16, $0x5  }
0x244: {  	[tilespmem:s18], [sflag:$0x1] =	stream.linear.gather [hbm4b:s17+s3], $0x80, $0x38;
	[tilespmem:$0xB100] =	vst v63  }
0x245: {  	s1 =	sadd.s32 s1, s5  }
0x246: {  	s1 =	smul.u32 $0x64, s1  }
0x247: {  	s24 =	sshrl.u32 s14, $0x3;
	s7 =	sadd.s32 s14, s26  }
0x248: {  	s8 =	sadd.s32 $0x80, s13;
	s5 =	smul.u32 $0x3000, s24;
	s6 =	sshra.s32 s1, $0x1F  }
0x249: {  	s19 =	sshrl.u32 s12, $0x3;
	s7 =	sshrl.u32 s7, $0x3;
	s6 =	sshrl.u32 s6, $0x19  }
0x24a: {  	s9 =	sand.u32 $0x380, s8;
	s5 =	sshra.s32 s5, $0x2;
	s6 =	sadd.s32 s6, s1  }
0x24b: {  	s10 =	smul.u32 $0x13C00, s7;
	s28 =	sadd.s32 s9, s5;
	s6 =	sshra.s32 s6, $0x7  }
0x24c: {  	s11 =	spop (v2sf);
	p0 =	slt.s32 s6, $0x4D;
	s13 =	smov.u32 s6  }
0x24d: {  	s5 =	sor.u32 s9, s5;
	s11 =	sxor.u32 $0x80000000, s11;
	s13 =	simm.s32 @!p0 $0x4D  }
0x24e: {  	s5 =	sadd.s32 $0x8080, s5;
	s15 =	smulhi.u32 $0x51EB851F, s11;
	s13 =	sshll.u32 s13, $0xA  }
0x24f: {  	p0 =	sgt.s32 s1, $0x267F;
	s11 =	sshra.s32 s11, $0x1F;
	s31 =	sadd.s32 s10, s13  }
0x250: {  	s6 =	sshll.u32 @!p0 s6, $0xA;
	s13 =	smul.u32 $0x51EB851F, s11;
	s1 =	sor.u32 s9, s31  }
0x251: {  	s7 =	sshll.u32 @p0 s7, $0xA;
	s10 =	sadd.s32 @!p0 s9, s10;
	s1 =	sshrl.u32 s1, $0x3  }
0x252: {  	s6 =	sadd.s32 @!p0 s6, s10;
	s16 =	sadd.s32 s13, s15;
	s1 =	sadd.s32 s4, s1  }
0x253: {  	[tilespmem:s5], [sflag:$0x1] =	stream.linear.gather [hbm4b:s1+s3], $0x80, $0x38;
	[tilespmem:$0xB100] =	vst v63  }
0x254: {  	s17 =	sshrl.u32 s16, $0x1F;
	s1 =	sor.u32 @p0 s9, s7;
	s5 =	sadd.s32 @!p0 $0x400, s6  }
0x255: {  	s6 =	sshra.s32 s16, $0x5;
	s5 =	smov.u32 @p0 s1;
	s1 =	smov.u32 s4  }
0x256: {  	s6 =	sadd.s32 s17, s6;
	s1 =	smov.u32 @p0 s2;
	s5 =	sshrl.u32 s5, $0x3  }
0x257: {  	s18 =	sadd.s32 $0x8480, s28;
	s6 =	smul.u32 $0x64, s6;
	s1 =	sadd.s32 s1, s5  }
0x258: {  	[tilespmem:s18], [sflag:$0x1] =	stream.linear.gather [hbm4b:s1+s3], $0x80, $0x38;
	[tilespmem:$0xB100] =	vst v63  }
0x259: {  	s22 =	sadd.s32 s12, s26;
	s20 =	sshra.s32 s6, $0x1F;
	s1 =	smul.u32 $0x3000, s19  }
0x25a: {  	s21 =	sadd.s32 $0x80, s8;
	s8 =	sshrl.u32 s22, $0x3;
	s5 =	sshrl.u32 s20, $0x19  }
0x25b: {  	s7 =	sand.u32 $0x380, s21;
	s5 =	sadd.s32 s5, s6;
	s1 =	sshra.s32 s1, $0x2  }
0x25c: {  	s9 =	smul.u32 $0x13C00, s8;
	s5 =	sshra.s32 s5, $0x7;
	s23 =	sadd.s32 s7, s1  }
0x25d: {  	s1 =	sor.u32 s7, s1;
	p0 =	slt.s32 s5, $0x4D;
	s11 =	smov.u32 s5  }
0x25e: {  	s1 =	sadd.s32 $0x8080, s1;
	s11 =	simm.s32 @!p0 $0x4D;
	p0 =	sgt.s32 s6, $0x267F  }
0x25f: {  	s24 =	sshll.u32 s11, $0xA;
	s5 =	sshll.u32 @!p0 s5, $0xA;
	s11 =	sadd.s32 @!p0 s7, s9  }
0x260: {  	s8 =	sshll.u32 @p0 s8, $0xA;
	s6 =	sadd.s32 s9, s24;
	s5 =	sadd.s32 @!p0 s5, s11  }
0x261: {  	s6 =	sor.u32 s7, s6;
	s7 =	sor.u32 @p0 s7, s8;
	s5 =	sadd.s32 @!p0 $0x400, s5  }
0x262: {  	s6 =	sshrl.u32 s6, $0x3;
	s5 =	smov.u32 @p0 s7;
	s7 =	smov.u32 s4  }
0x263: {  	s6 =	sadd.s32 s4, s6;
	s7 =	smov.u32 @p0 s2;
	s5 =	sshrl.u32 s5, $0x3  }
0x264: {  	[tilespmem:s1], [sflag:$0x1] =	stream.linear.gather [hbm4b:s6+s3], $0x80, $0x38;
	[tilespmem:$0xB100] =	vst v63  }
0x265: {  	s31 =	sadd.s32 $0x8480, s23;
	s28 =	sadd.s32 s7, s5  }
0x266: {  	[tilespmem:s31], [sflag:$0x1] =	stream.linear.gather [hbm4b:s28+s3], $0x80, $0x38;
	[tilespmem:$0xB100] =	vst v63  }
.LBB2_12:
0x267: {  	s1 =	simm.s32 $0x2  }
0x268: {  	_ =	swait.ge [sflag:s1], $0x1000  }
0x269: {  	[sflag:s1] =	ssyncset.done $0x0  }
0x26a: {  	s13 =	rddreg [dreg:$0x1c];
	[sflag:s1] =	ssyncadd.s32 $0xFFFFF000  }
0x26b: {  	v7 =	vld [tilespmem:s13+$0x0];
	_ =	sdelay $0x4  }
0x26c: {  	(v2sf) =	vpush v7, $0xD  }
0x26d: {  	(v2sf) =	vpush v7, $0xC;
	_ =	sdelay $0x2  }
0x26e: {  	(v2sf) =	vpush v7, $0xE;
	_ =	sdelay $0x1  }
0x26f: {  	(v2sf) =	vpush v7, $0xF  }
0x270: {  	(v2sf) =	vpush v7, $0x9;
	_ =	sdelay $0x1  }
0x271: {  	(v2sf) =	vpush v7, $0x8  }
0x272: {  	(v2sf) =	vpush v7, $0xA;
	_ =	sdelay $0x1  }
0x273: {  	(v2sf) =	vpush v7, $0xB;
	_ =	sdelay $0x1  }
0x274: {  	(v2sf) =	vpush v7, $0x0  }
0x275: {  	s14 =	spop (v2sf)  }
0x276: {  	(v2sf) =	vpush v7, $0x1;
	s5 =	smulhi.u32 $0x51EB851F, s14;
	s6 =	spop (v2sf)  }
0x277: {  	s1 =	sshra.s32 s14, $0x1F;
	s7 =	smulhi.u32 $0x51EB851F, s6  }
0x278: {  	s6 =	sshra.s32 s6, $0x1F;
	[smem:$0x7F6] =	sst s5;
	s5 =	smul.u32 $0x51EB851F, s1  }
0x279: {  	(v2sf) =	vpush v7, $0x2;
	s8 =	spop (v2sf);
	s1 =	smul.u32 $0x51EB851F, s6  }
0x27a: {  	(v2sf) =	vpush v7, $0x3;
	s10 =	smulhi.u32 $0x51EB851F, s8;
	s8 =	sshra.s32 s8, $0x1F  }
0x27b: {  	(v2sf) =	vpush v7, $0x4;
	s9 =	spop (v2sf);
	s8 =	smul.u32 $0x51EB851F, s8  }
0x27c: {  	(v2sf) =	vpush v7, $0x5;
	s11 =	spop (v2sf);
	s16 =	smulhi.u32 $0x51EB851F, s9;
	s9 =	sshra.s32 s9, $0x1F  }
0x27d: {  	(v2sf) =	vpush v7, $0x6;
	s6 =	sld [smem:$0x7F6];
	s9 =	smul.u32 $0x51EB851F, s9  }
0x27e: {  	(v2sf) =	vpush v7, $0x7;
	s12 =	spop (v2sf);
	s17 =	smulhi.u32 $0x51EB851F, s11;
	s11 =	sshra.s32 s11, $0x1F  }
0x27f: {  	s1 =	sadd.s32 s1, s7;
	s13 =	spop (v2sf);
	s11 =	smul.u32 $0x51EB851F, s11  }
0x280: {  	s20 =	smulhi.u32 $0x51EB851F, s12;
	s12 =	sshra.s32 s12, $0x1F;
	[smem:$0x7F8] =	sst s1  }
0x281: {  	s14 =	spop (v2sf);
	s23 =	smul.u32 $0x51EB851F, s12  }
0x282: {  	s28 =	smulhi.u32 $0x51EB851F, s13;
	s15 =	sshra.s32 s13, $0x1F;
	s5 =	sadd.s32 s5, s6  }
0x283: {  	s9 =	sadd.s32 s9, s16;
	s18 =	spop (v2sf);
	s12 =	smul.u32 $0x51EB851F, s15  }
0x284: {  	s15 =	smulhi.u32 $0x51EB851F, s14;
	s14 =	sshra.s32 s14, $0x1F;
	[smem:$0x7F9] =	sst s5  }
0x285: {  	s5 =	sshrl.u32 s5, $0x1F;
	s19 =	spop (v2sf);
	s6 =	smul.u32 $0x51EB851F, s14  }
0x286: {  	s7 =	smulhi.u32 $0x51EB851F, s18;
	s18 =	sshra.s32 s18, $0x1F;
	[smem:$0x7F7] =	sst s5  }
0x287: {  	s5 =	sshrl.u32 s1, $0x1F;
	s14 =	sadd.s32 s8, s10;
	s18 =	smul.u32 $0x51EB851F, s18  }
0x288: {  	s22 =	spop (v2sf);
	s10 =	smulhi.u32 $0x51EB851F, s19;
	s19 =	sshra.s32 s19, $0x1F  }
0x289: {  	s20 =	sadd.s32 s23, s20;
	s24 =	spop (v2sf);
	s16 =	smul.u32 $0x51EB851F, s19  }
0x28a: {  	s19 =	sadd.s32 s11, s17;
	s1 =	sshra.s32 s22, $0x1F;
	s31 =	spop (v2sf)  }
0x28b: {  	s17 =	sadd.s32 s12, s28;
	s23 =	smul.u32 $0x51EB851F, s1;
	s13 =	spop (v2sf)  }
0x28c: {  	s12 =	smulhi.u32 $0x51EB851F, s24;
	s24 =	sshra.s32 s24, $0x1F;
	s21 =	spop (v2sf)  }
0x28d: {  	s1 =	sadd.s32 s6, s15;
	s15 =	smul.u32 $0x51EB851F, s24;
	s28 =	spop (v2sf)  }
0x28e: {  	s7 =	sadd.s32 s18, s7;
	s18 =	smulhi.u32 $0x51EB851F, s28;
	s24 =	sshra.s32 s28, $0x1F  }
0x28f: {  	s10 =	sadd.s32 s16, s10;
	s16 =	smul.u32 $0x51EB851F, s24  }
0x290: {  	s8 =	sshrl.u32 s14, $0x1F;
	s11 =	smulhi.u32 $0x51EB851F, s22;
	s22 =	sshrl.u32 s9, $0x1F  }
0x291: {  	v9 =	vmov s5;
	s6 =	sshra.s32 s31, $0x1F;
	s5 =	sshrl.u32 s7, $0x1F;
	s18 =	sadd.s32 s16, s18  }
0x292: {  	s11 =	sadd.s32 s23, s11;
	s24 =	smul.u32 $0x51EB851F, s6;
	s6 =	sshra.s32 s18, $0x1F  }
0x293: {  	s23 =	smulhi.u32 $0x51EB851F, s31;
	s31 =	sshrl.u32 s20, $0x1F;
	v10 =	vmov s5;
	v8 =	vmov s6;
	s6 =	sshra.s32 s7, $0x5  }
0x294: {  	s12 =	sadd.s32 s15, s12;
	s15 =	sshrl.u32 s10, $0x1F;
	v10 =	vnsel vm0, $0x0, v10;
	v8 =	vsel vm0, s6, v8;
	s6 =	sld [smem:$0x7F7]  }
0x295: {  	v11 =	vmov s31;
	s5 =	smulhi.u32 $0x51EB851F, s13;
	v10 =	vsel vm2, s15, v10;
	s15 =	sshra.s32 s11, $0x5;
	s31 =	sshra.s32 s12, $0x5  }
0x296: {  	vm1 =	vcmask $0x704;
	s28 =	sshrl.u32 s19, $0x1F;
	s16 =	sshrl.u32 s17, $0x1F;
	s7 =	sshra.s32 s7, $0x1F  }
0x297: {  	s23 =	sadd.s32 s24, s23;
	v8 =	vsel vm1, s7, v8;
	v9 =	vsel vm2, s6, v9;
	s6 =	sshra.s32 s13, $0x1F;
	s13 =	sshra.s32 s10, $0x5  }
0x298: {  	v11 =	vsel vm2, s28, v11;
	s24 =	sshrl.u32 s1, $0x1F;
	s28 =	sshrl.u32 s23, $0x1F;
	v8 =	vsel vm2, s13, v8;
	s13 =	sshra.s32 s10, $0x1F  }
0x299: {  	s7 =	sshrl.u32 s11, $0x1F;
	s11 =	sshra.s32 s11, $0x1F;
	v9 =	vsel vm4, s8, v9;
	s6 =	smul.u32 $0x51EB851F, s6;
	v8 =	vsel vm5, s13, v8  }
0x29a: {  	v10 =	vsel vm4, s7, v10;
	s10 =	smulhi.u32 $0x51EB851F, s21;
	v9 =	vsel vm6, s22, v9;
	s22 =	sshra.s32 s21, $0x1F;
	s21 =	sshrl.u32 s12, $0x1F;
	v8 =	vsel vm4, s15, v8  }
0x29b: {  	v11 =	vsel vm4, s16, v11;
	s16 =	sshra.s32 s23, $0x5;
	s22 =	smul.u32 $0x51EB851F, s22;
	v10 =	vsel vm6, s21, v10;
	s21 =	sld [smem:$0x7F8];
	v8 =	vsel vm3, s11, v8  }
0x29c: {  	v11 =	vsel vm6, s24, v11;
	s13 =	sshra.s32 s12, $0x1F;
	s5 =	sadd.s32 s6, s5;
	v10 =	vsel vm8, s28, v10;
	s28 =	sld [smem:$0x7F9];
	v8 =	vsel vm6, s31, v8  }
0x29d: {  	v9 =	vcombine.low v11, v9;
	s11 =	sshrl.u32 s5, $0x1F;
	s6 =	sadd.s32 s22, s10;
	s22 =	sshra.s32 s20, $0x5;
	v8 =	vsel vm7, s13, v8  }
0x29e: {  	s24 =	sshra.s32 s23, $0x1F;
	v10 =	vsel vm10, s11, v10;
	s15 =	sshrl.u32 s6, $0x1F;
	s8 =	sshra.s32 s21, $0x5;
	v12 =	vmov s22;
	v8 =	vsel vm8, s16, v8  }
0x29f: {  	s12 =	sshra.s32 s5, $0x5;
	s31 =	sshra.s32 s19, $0x5;
	v10 =	vsel vm12, s15, v10;
	s11 =	sshra.s32 s28, $0x5;
	v11 =	vmov s8;
	v8 =	vsel vm9, s24, v8  }
0x2a0: {  	s5 =	sshra.s32 s5, $0x1F;
	s13 =	sshra.s32 s14, $0x5;
	s14 =	sshra.s32 s17, $0x5;
	v12 =	vsel vm2, s31, v12;
	v11 =	vsel vm2, s11, v11;
	v8 =	vsel vm10, s12, v8  }
0x2a1: {  	s1 =	sshra.s32 s1, $0x5;
	s15 =	sshra.s32 s9, $0x5;
	s16 =	sshra.s32 s6, $0x5;
	v12 =	vsel vm4, s14, v12;
	v11 =	vsel vm4, s13, v11;
	v8 =	vsel vm11, s5, v8  }
0x2a2: {  	s17 =	sshrl.u32 s18, $0x1F;
	s19 =	sshra.s32 s6, $0x1F;
	v12 =	vsel vm6, s1, v12;
	v11 =	vsel vm6, s15, v11;
	v8 =	vsel vm12, s16, v8  }
0x2a3: {  	s20 =	sshra.s32 s18, $0x5;
	v10 =	vsel vm13, s17, v10;
	v11 =	vcombine.low v12, v11;
	v8 =	vsel vm14, s19, v8  }
0x2a4: {  	v9 =	vperm.xlane v9, v2;
	v10 =	vperm.xlane v10, v3;
	v8 =	vsel vm13, s20, v8  }
0x2a5: {  	v11 =	vperm.xlane v11, v2;
	v8 =	vperm.xlane v8, v3;
	_ =	sdelay $0x1  }
0x2a6: {  	v9 =	vsel vm15, v10, v9;
	v8 =	vsel vm15, v8, v11  }
0x2a7: {  	v8 =	vadd.s32 v9, v8  }
0x2a8: {  	v14 =	vmul.u32 $0x64, v8;
	_ =	sdelay $0x1  }
0x2a9: {  	v9 =	vshra.s32 v14, $0x1F  }
0x2aa: {  	v9 =	vshrl.u32 v9, $0x19  }
0x2ab: {  	v9 =	vadd.s32 v9, v14  }
0x2ac: {  	s21 =	rddreg [dreg:$0x1c];
	v9 =	vshra.s32 v9, $0x7  }
0x2ad: {  	v10 =	vmov s21;
	vm1 =	vlt.s32 v9, $0x4D;
	v11 =	vshll.u32 v9, $0x7  }
0x2ae: {  	v12 =	vshll.u32 v10, $0x8;
	v9 =	vnsel vm1, $0x4D, v9;
	v11 =	vadd.s32 $0x80, v11  }
0x2af: {  	s22 =	simm.s32 $0x0;
	v10 =	vshll.u32 v9, $0x7;
	vm1 =	vlt.s32 v11, $0x2700;
	v9 =	vor.u32 v4, v12  }
0x2b0: {  	v13 =	vadd.s32 s22, v14;
	v11 =	vnsel vm1, $0x2700, v11;
	v9 =	vand.u32 $0x7FFFF800, v9  }
0x2b1: {  	v12 =	vadd.s32 $0x80, v10;
	v18 =	vsub.s32 $0x0, v10;
	v16 =	vor.u32 v5, v9  }
0x2b2: {  	v17 =	vsub.s32 $0x80, v11;
	vm1 =	vlt.s32 v13, v12;
	v19 =	vor.u32 s22, v16  }
0x2b3: {  	v15 =	vor.u32 $0x1, v13;
	v20 =	vsel vm1, v18, v17  }
0x2b4: {  	s23 =	simm.s32 $0x1;
	vm1 =	vlt.s32 v15, v12;
	v13 =	vadd.s32 v20, v13  }
0x2b5: {  	v21 =	vor.u32 s23, v16;
	v20 =	vsel vm1, v18, v17;
	v22 =	vshll.u32 v13, $0x3  }
0x2b6: {  	v15 =	vadd.s32 v20, v15;
	v13 =	vand.u32 $0x7F, v13;
	v20 =	vand.u32 $0xFFFFFC00, v22  }
0x2b7: {  	v13 =	vor.u32 v13, v20;
	v19 =	vld.idx.msk [tilespmem:v19+s29+$0x0], $0xffff  }
0x2b8: {  	v22 =	vshll.u32 v15, $0x3;
	v13 =	vadd.s32 v6, v13  }
0x2b9: {  	v15 =	vand.u32 $0x7F, v15;
	v20 =	vand.u32 $0xFFFFFC00, v22  }
0x2ba: {  	s24 =	simm.s32 $0x2;
	v15 =	vor.u32 v15, v20;
	v20 =	vld.idx.msk [tilespmem:v21+s29+$0x0], $0xffff  }
0x2bb: {  	v21 =	vadd.s32 s24, v14;
	v15 =	vadd.s32 v6, v15  }
0x2bc: {  	s28 =	simm.s32 $0x3;
	vm1 =	vlt.s32 v21, v12;
	v22 =	vor.u32 $0x1, v21;
	v19 =	vmul.f32 $1.442695020e+00, v19  }
0x2bd: {  	v26 =	vor.u32 s28, v16;
	v24 =	vsel vm1, v18, v17;
	vm1 =	vlt.s32 v22, v12;
	v23 =	vld.idx.msk [tilespmem:v13+s0+$0x0], $0xffff  }
0x2be: {  	v21 =	vadd.s32 v24, v21;
	(erf) = vpow2.f32 v19;
	v19 =	vor.u32 s24, v16  }
0x2bf: {  	v25 =	vsel vm1, v18, v17;
	v24 =	vshll.u32 v21, $0x3;
	v20 =	vmul.f32 $1.442695020e+00, v20  }
0x2c0: {  	v22 =	vadd.s32 v25, v22;
	v21 =	vand.u32 $0x7F, v21;
	v24 =	vand.u32 $0xFFFFFC00, v24;
	v15 =	vld.idx.msk [tilespmem:v15+s0+$0x0], $0xffff  }
0x2c1: {  	v25 =	vshll.u32 v22, $0x3;
	v22 =	vand.u32 $0x7F, v22;
	(erf) = vpow2.f32 v20  }
0x2c2: {  	v20 =	vor.u32 v21, v24;
	v21 =	vmul.f32 $1.442695020e+00, v23;
	v23 =	vand.u32 $0xFFFFFC00, v25  }
0x2c3: {  	v24 =	vadd.s32 v6, v20;
	v20 =	vor.u32 v22, v23;
	v22 =	vld.idx.msk [tilespmem:v19+s29+$0x0], $0xffff;
	_ =	sdelay $0x1  }
0x2c4: {  	s31 =	simm.s32 $0x5;
	v13 =	vimm.f32 $0.0e+00;
	v15 =	vmul.f32 $1.442695020e+00, v15;
	v25 =	vadd.s32 v6, v20  }
0x2c5: {  	v23 =	vld.idx.msk [tilespmem:v26+s29+$0x0], $0xffff;
	(erf) = vpow2.f32 v21;
	v21 =	vor.u32 s31, v16;
	v19 =	vimm.f32 $0.0e+00  }
0x2c6: {  	s11 =	simm.s32 $0x7;
	s12 =	simm.s32 $0x4;
	v20 =	vimm.f32 $0.0e+00;
	(erf) = vpow2.f32 v15;
	v15 =	vimm.f32 $0.0e+00  }
.LBB2_13:
0x2c7: {  	p0 =	sne.s32 s11, $0x63;
	v26 =	vadd.s32 s12, v14;
	v27 =	vor.u32 s12, v16;
	v22 =	vmul.f32 $1.442695020e+00, v22;
	v28 =	vpop (erf)  }
0x2c8: {  	vm1 =	vlt.s32 v26, v12;
	v29 =	vor.u32 $0x1, v26;
	v30 =	vld.idx.msk [tilespmem:v24+s0+$0x0], $0xffff;
	v13 =	vadd.f32 v28, v13  }
0x2c9: {  	v24 =	vsel vm1, v18, v17;
	vm1 =	vlt.s32 v29, v12;
	v28 =	vld.idx.msk [tilespmem:v25+s0+$0x0], $0xffff;
	(erf) = vpow2.f32 v22  }
0x2ca: {  	v23 =	vmul.f32 $1.442695020e+00, v23;
	v22 =	vadd.s32 v24, v26;
	v24 =	vsel vm1, v18, v17;
	v26 =	vpop (erf)  }
0x2cb: {  	v25 =	vand.u32 $0x7F, v22;
	v22 =	vshll.u32 v22, $0x3;
	v24 =	vadd.s32 v24, v29  }
0x2cc: {  	v32 =	vand.u32 $0xFFFFFC00, v22;
	v31 =	vshll.u32 v24, $0x3;
	v22 =	vld.idx.msk [tilespmem:v27+s29+$0x0], $0xffff;
	(erf) = vpow2.f32 v23  }
.Ltmp5:
0x2cd: {  	v23 =	vor.u32 v25, v32;
	v25 =	vand.u32 $0x7F, v24;
	v27 =	vand.u32 $0xFFFFFC00, v31;
	(pc) =	sbr.rel @p0 .LBB2_13-.Ltmp5, $4  }
0x2ce: {  	v24 =	vadd.s32 v6, v23;
	v23 =	vor.u32 v25, v27;
	v27 =	vmul.f32 $1.442695020e+00, v30;
	v29 =	vpop (erf)  }
0x2cf: {  	v28 =	vmul.f32 $1.442695020e+00, v28;
	v25 =	vadd.s32 v6, v23;
	v23 =	vld.idx.msk [tilespmem:v21+s29+$0x0], $0xffff;
	v19 =	vadd.f32 v29, v19;
	v21 =	vpop (erf)  }
0x2d0: {  	v15 =	vadd.f32 v26, v15;
	(erf) = vpow2.f32 v27;
	v20 =	vadd.f32 v21, v20  }
0x2d1: {  	s12 =	sadd.s32 $0xFFFFFFFF, s11;
	v21 =	vor.u32 s11, v16;
	s11 =	sadd.s32 $0x2, s11;
	(erf) = vpow2.f32 v28  }
0x2d2: {  	v14 =	vadd.s32 s12, v14  }
0x2d3: {  	vm1 =	vlt.s32 v14, v12;
	v26 =	vor.u32 $0x1, v14  }
0x2d4: {  	v27 =	vsel vm1, v18, v17;
	vm1 =	vlt.s32 v26, v12  }
0x2d5: {  	v14 =	vadd.s32 v27, v14;
	v59 =	vsel vm1, v18, v17  }
0x2d6: {  	v16 =	vor.u32 s12, v16;
	v60 =	vshll.u32 v14, $0x3;
	v17 =	vadd.s32 v59, v26  }
0x2d7: {  	v14 =	vand.u32 $0x7F, v14;
	v18 =	vand.u32 $0xFFFFFC00, v60;
	v26 =	vshll.u32 v17, $0x3  }
0x2d8: {  	v17 =	vand.u32 $0x7F, v17;
	v14 =	vor.u32 v14, v18;
	v61 =	vand.u32 $0xFFFFFC00, v26  }
0x2d9: {  	v14 =	vadd.s32 v6, v14;
	v17 =	vor.u32 v17, v61  }
0x2da: {  	v62 =	vld.idx.msk [tilespmem:v24+s0+$0x0], $0xffff;
	v17 =	vadd.s32 v6, v17  }
0x2db: {  	v63 =	vld.idx.msk [tilespmem:v25+s0+$0x0], $0xffff  }
0x2dc: {  	v16 =	vld.idx.msk [tilespmem:v16+s29+$0x0], $0xffff  }
0x2dd: {  	v22 =	vmul.f32 $1.442695020e+00, v22;
	v21 =	vld.idx.msk [tilespmem:v21+s29+$0x0], $0xffff  }
0x2de: {  	v23 =	vmul.f32 $1.442695020e+00, v23;
	v14 =	vld.idx.msk [tilespmem:v14+s0+$0x0], $0xffff  }
0x2df: {  	(erf) = vpow2.f32 v22;
	v18 =	vmul.f32 $1.442695020e+00, v62;
	v17 =	vld.idx.msk [tilespmem:v17+s0+$0x0], $0xffff  }
0x2e0: {  	(erf) = vpow2.f32 v23;
	v28 =	vmul.f32 $1.442695020e+00, v63  }
0x2e1: {  	(erf) = vpow2.f32 v18;
	v16 =	vmul.f32 $1.442695020e+00, v16  }
0x2e2: {  	v29 =	vmul.f32 $1.442695020e+00, v21;
	(erf) = vpow2.f32 v28  }
0x2e3: {  	(erf) = vpow2.f32 v16;
	v14 =	vmul.f32 $1.442695020e+00, v14  }
0x2e4: {  	v30 =	vpop (erf);
	(erf) = vpow2.f32 v29;
	v17 =	vmul.f32 $1.442695020e+00, v17  }
0x2e5: {  	v31 =	vpop (erf);
	(erf) = vpow2.f32 v14  }
0x2e6: {  	v32 =	vpop (erf);
	(erf) = vpow2.f32 v17  }
0x2e7: {  	v33 =	vpop (erf)  }
0x2e8: {  	v34 =	vpop (erf)  }
0x2e9: {  	v35 =	vpop (erf)  }
0x2ea: {  	v36 =	vpop (erf)  }
0x2eb: {  	v37 =	vpop (erf)  }
0x2ec: {  	v14 =	vadd.f32 v32, v19;
	v17 =	vadd.f32 v33, v20;
	v38 =	vpop (erf)  }
0x2ed: {  	v39 =	vpop (erf)  }
0x2ee: {  	v14 =	vadd.f32 v36, v14;
	v17 =	vadd.f32 v37, v17;
	v40 =	vpop (erf)  }
0x2ef: {  	v41 =	vpop (erf)  }
0x2f0: {  	v14 =	vadd.f32 v40, v14;
	v17 =	vadd.f32 v41, v17;
	_ =	sdelay $0x1  }
0x2f1: {  	v14 =	vadd.f32 v17, v14;
	_ =	sdelay $0x1  }
0x2f2: {  	v17 =	vand.u32 $0x7FFFFF, v14  }
0x2f3: {  	v17 =	vor.u32 $0x3F800000, v17  }
0x2f4: {  	v42 =	vadd.f32 $-1.000000000e+00, v17;
	_ =	sdelay $0x1  }
0x2f5: {  	v43 =	vmul.f32 $3.333333430e-01, v42;
	_ =	sdelay $0x1  }
0x2f6: {  	v24 =	vadd.f32 $-5.000000000e-01, v43;
	_ =	sdelay $0x1  }
0x2f7: {  	v24 =	vmul.f32 v24, v42;
	_ =	sdelay $0x1  }
0x2f8: {  	v24 =	vadd.f32 $1.000000000e+00, v24;
	_ =	sdelay $0x1  }
0x2f9: {  	v23 =	vmul.f32 v24, v42;
	_ =	sdelay $0x1  }
0x2fa: {  	v24 =	vsub.f32 $0.0e+00, v23;
	_ =	sdelay $0x1  }
0x2fb: {  	v24 =	vmul.f32 $1.442695020e+00, v24;
	_ =	sdelay $0x1  }
0x2fc: {  	(erf) = vpow2.f32 v24;
	_ =	sdelay $0x8  }
0x2fd: {  	v24 =	vpop (erf)  }
0x2fe: {  	v23 =	vadd.f32 $-1.000000000e+00, v23;
	v24 =	vmul.f32 v17, v24  }
0x2ff: {  	v13 =	vadd.f32 v30, v13;
	v15 =	vadd.f32 v31, v15  }
0x300: {  	v44 =	vadd.f32 v24, v23  }
0x301: {  	v13 =	vadd.f32 v34, v13;
	v15 =	vadd.f32 v35, v15  }
0x302: {  	v45 =	vsub.f32 $0.0e+00, v44  }
0x303: {  	v13 =	vadd.f32 v38, v13;
	v15 =	vadd.f32 v39, v15  }
0x304: {  	v18 =	vmul.f32 $1.442695020e+00, v45  }
0x305: {  	v13 =	vadd.f32 v15, v13  }
0x306: {  	(erf) = vpow2.f32 v18  }
0x307: {  	v15 =	vand.u32 $0x7FFFFF, v13  }
0x308: {  	v15 =	vor.u32 $0x3F800000, v15  }
0x309: {  	v46 =	vadd.f32 $-1.000000000e+00, v15;
	_ =	sdelay $0x1  }
0x30a: {  	v47 =	vmul.f32 $3.333333430e-01, v46;
	_ =	sdelay $0x1  }
0x30b: {  	v19 =	vadd.f32 $-5.000000000e-01, v47;
	_ =	sdelay $0x1  }
0x30c: {  	v19 =	vmul.f32 v19, v46;
	v48 =	vpop (erf)  }
0x30d: {  	v16 =	vadd.f32 $-1.000000000e+00, v44;
	v20 =	vmul.f32 v17, v48  }
0x30e: {  	v19 =	vadd.f32 $1.000000000e+00, v19  }
0x30f: {  	v16 =	vadd.f32 v20, v16  }
0x310: {  	v18 =	vmul.f32 v19, v46  }
0x311: {  	v49 =	vsub.f32 $0.0e+00, v16  }
0x312: {  	v50 =	vsub.f32 $0.0e+00, v18  }
0x313: {  	v19 =	vmul.f32 $1.442695020e+00, v49  }
0x314: {  	v20 =	vmul.f32 $1.442695020e+00, v50  }
0x315: {  	(erf) = vpow2.f32 v19  }
0x316: {  	(erf) = vpow2.f32 v20;
	_ =	sdelay $0x7  }
0x317: {  	v19 =	vpop (erf)  }
0x318: {  	v20 =	vpop (erf)  }
0x319: {  	v18 =	vadd.f32 $-1.000000000e+00, v18;
	v20 =	vmul.f32 v15, v20;
	_ =	sdelay $0x1  }
0x31a: {  	v18 =	vadd.f32 v20, v18;
	_ =	sdelay $0x1  }
0x31b: {  	v20 =	vsub.f32 $0.0e+00, v18;
	_ =	sdelay $0x1  }
0x31c: {  	v20 =	vmul.f32 $1.442695020e+00, v20;
	_ =	sdelay $0x1  }
0x31d: {  	(erf) = vpow2.f32 v20;
	_ =	sdelay $0x8  }
0x31e: {  	v20 =	vpop (erf)  }
0x31f: {  	v18 =	vadd.f32 $-1.000000000e+00, v18;
	v20 =	vmul.f32 v15, v20;
	_ =	sdelay $0x1  }
0x320: {  	v18 =	vadd.f32 v20, v18;
	_ =	sdelay $0x1  }
0x321: {  	v20 =	vsub.f32 $0.0e+00, v18;
	_ =	sdelay $0x1  }
0x322: {  	v20 =	vmul.f32 $1.442695020e+00, v20  }
0x323: {  	vm1 =	vgt.s32 v8, $0x1  }
0x324: {  	v8 =	vnsel vm1, $0x1, v8;
	(erf) = vpow2.f32 v20  }
0x325: {  	v11 =	vsub.s32 v7, v11;
	v10 =	vsub.s32 v7, v10;
	v8 =	vadd.s32 $0xFFFFFFFF, v8  }
0x326: {  	v11 =	vadd.s32 $0x80, v11;
	vm1 =	vlt.s32 v7, v12;
	v51 =	vshll.u32 v8, $0x3  }
0x327: {  	v10 =	vsel vm1, v10, v11;
	v52 =	vand.u32 $0x7FFFFC00, v51  }
0x328: {  	v53 =	vshll.u32 v10, $0x3;
	v8 =	vand.u32 $0x7F, v8;
	v9 =	vadd.s32 v9, v52  }
0x329: {  	v10 =	vand.u32 $0x7F, v10;
	v54 =	vand.u32 $0xFFFFFC00, v53;
	v8 =	vor.u32 v8, v9  }
0x32a: {  	v55 =	vor.u32 v10, v54;
	v8 =	vor.u32 v5, v8;
	v57 =	vshrl.u32 v13, $0x17  }
0x32b: {  	v9 =	vadd.s32 v6, v55;
	v11 =	vand.u32 $0xFF, v57  }
0x32c: {  	v11 =	vadd.s32 $0xFFFFFF81, v11;
	v56 =	vshrl.u32 v14, $0x17  }
0x32d: {  	v11 =	vcvt.s32.f32 v11;
	v10 =	vand.u32 $0xFF, v56;
	v58 =	vpop (erf)  }
0x32e: {  	v10 =	vadd.s32 $0xFFFFFF81, v10;
	v59 =	vadd.f32 $-1.000000000e+00, v18;
	v12 =	vmul.f32 v15, v58  }
0x32f: {  	v8 =	vld.idx.msk [tilespmem:v8+s29+$0x0], $0xffff;
	v10 =	vcvt.s32.f32 v10;
	v60 =	vadd.f32 $-1.000000000e+00, v16;
	v61 =	vmul.f32 v17, v19  }
0x330: {  	v9 =	vld.idx.msk [tilespmem:v9+s0+$0x0], $0xffff;
	v11 =	vmul.f32 $6.931471820e-01, v11;
	v12 =	vadd.f32 v12, v59  }
0x331: {  	v10 =	vmul.f32 $6.931471820e-01, v10;
	v62 =	vadd.f32 v61, v60  }
0x332: {  	v11 =	vadd.f32 v12, v11  }
0x333: {  	v10 =	vadd.f32 v62, v10  }
0x334: {  	s1 =	rddreg [dreg:$0x1b];
	v63 =	vld [tilespmem:$0xB080];
	v8 =	vsub.f32 v11, v8  }
0x335: {  	s1 =	sadd.s32 $0x1, s1;
	vm1 =	vgt.s32 v7, $0x63;
	v9 =	vsub.f32 v10, v9  }
0x336: {  	p0 =	sne.s32 s1, $0x4;
	v7 =	vnsel vm1, $0x0, v8  }
.Ltmp6:
0x337: {  	v7 =	vadd.f32 v7, v9;
	(pc) =	sbr.rel @p0 .LBB2_4-.Ltmp6, $3  }
0x338: {  	_ = 	snop  }
0x339: {  	v7 =	vadd.f32 v7, v63;
	_ =	sdelay $0x1  }
0x33a: {  	s25 =	sadd.s32 $0x20, s25;
	s26 =	sadd.s32 $0x20, s26;
	[tilespmem:$0xB080] =	vst v7  }
0x33b: {  	s1 =	rddreg [dreg:$0x5];
	s5 =	simm.s32 $0xB080  }
0x33c: {  	[hbm4b:s1+s3] =	stream.linear.scatter [tilespmem:s5], [sflag:$0x4], $0x80, $0x38;
	[tilespmem:$0xB100] =	vst v63  }
0x33d: {  	s5 =	simm.s32 $0x4  }
0x33e: {  	_ =	swait.ge [sflag:s5], $0x80  }
0x33f: {  	s6 =	rddreg [dreg:$0x1a]  }
0x340: {  	s31 =	rddreg [dreg:$0x6];
	s6 =	sadd.s32 $0x1, s6  }
0x341: {  	p0 =	sne.s32 s6, s31  }
.Ltmp7:
0x342: {  	_ = 	snop;
	(pc) =	sbr.rel @p0 .LBB2_1-.Ltmp7, $3  }
0x343: {  	_ =	sdelay $0x1  }
0x344: {  	[sflag:s5] =	ssyncset.done $0x0  }
0x345: {  	s7 =	rddreg [dreg:$0x15];
	[sflag:s5] =	ssyncadd.s32 $0xFFFFFF80  }
0x346: {  	_ =	sfence.sel $0x180000  }
0x347: {  	[bflag:$0x0] =	sbarrier.arrive $0xFFFF  }
0x348: {  	_ =	strace $0x90000047  }
0x349: {  	s0 =	stileid.u32;
	[bflag:$0x2] =	sbarrier.arrive $0xFFFF  }
0x34a: {  	p0 =	sne.s32 s0, $0x0;
	s0 =	rddreg [dreg:$0x3]  }
0x34b: {  	s0 =	sadd.s32 @!p0 $0x100000, s0  }
0x34c: {  	[sflag:s0] =	ssyncadd.tile.s32 @!p0 $0x1;
	_ =	shalt  }
.Lfunc_end2:
_tile_overlayer_lowered:
.L_overlay_start_2:
0x34d: {  	(tag) =	ssettag $0x2  }
0x34e: {  	s0 =	rddreg [dreg:$0x0];
	s2 =	stileid.u32  }
0x34f: {  	s1 =	rddreg [dreg:$0x1];
	p0 =	sne.s32 s2, $0x0  }
0x350: {  	s3 =	rddreg [dreg:$0x2];
	[bflag:$0x3] =	sbarrier.arrive $0xFFFF;
	s2 =	simm.s32 @!p0 $0x1C04  }
0x351: {  	[timem:s3], [sflag:s2] =	dma.local @!p0 [hbm:s0], s1  }
0x352: {  	s0 =	simm.s32 @!p0 $0x4  }
0x353: {  	_ =	swait.ge @!p0 [sflag:s0], s1  }
0x354: {  	s1 =	ssub.s32 @!p0 $0x0, s1;
	[sflag:s0] =	ssyncset.done @!p0 $0x0  }
0x355: {  	[sflag:s0] =	ssyncadd.s32 @!p0 s1  }
0x356: {  	[bflag:$0x3] =	sbarrier.arrive $0xFFFF  }
0x357: {  	_ =	shalt  }

</sc_bundles>
